<compile_context>
chip_gen: v7x
topology: tpu7x:2x2x1
jax: 0.10.2.dev20260603
libtpu: 0.0.44.dev20260713+nightly
codegen_flags: <defaults>
</compile_context>

<pallas_src>
import functools

import jax
import jax.numpy as jnp
from jax import lax
from jax.experimental import pallas as pl
from jax.experimental.pallas import tpu as pltpu
from jax.experimental.pallas import tpu_sc as plsc

B = 16384
D = 256
N_CLASSES = 6
N_SUBJECTS = 100
NPAIR = 640
MARGIN = 1.0
EPS = 1e-6
DROWS = 2048
DNBLK = B // DROWS
I_SENT = 2**30
F_BIG = 1e30

_ROWS_PER_W = (2 * NPAIR) // 32
NPAD = 656
SAMP_PER_SC = B // 16


@functools.cache
def _make_sc_mine_gather():
    mesh = plsc.VectorSubcoreMesh(core_axis_name="c", subcore_axis_name="s")

    @functools.partial(
        pl.kernel,
        mesh=mesh,
        compiler_params=pltpu.CompilerParams(needs_layout_passes=False),
        out_type=(
            jax.ShapeDtypeStruct((2 * NPAIR, D), jnp.float32),
            jax.ShapeDtypeStruct((NPAIR,), jnp.int32),
        ),
        scratch_types=[
            pltpu.VMEM((SAMP_PER_SC,), jnp.int32),
            pltpu.VMEM((16 * NPAD,), jnp.int32),
            pltpu.VMEM((16 * NPAD,), jnp.int32),
            pltpu.VMEM((NPAD,), jnp.int32),
            pltpu.VMEM((NPAD,), jnp.int32),
            pltpu.VMEM((2 * 16 * NPAD,), jnp.int32),
            pltpu.VMEM((48,), jnp.int32),
            pltpu.VMEM((48,), jnp.int32),
            pltpu.VMEM((_ROWS_PER_W, D), jnp.float32),
            pltpu.VMEM_SHARED((2 * 16 * NPAD,), jnp.int32),
            pltpu.SemaphoreType.DMA,
        ],
    )
    def _g(emb_hbm, p_hbm, rows_hbm, valid2_hbm, pchunk, loc1, loc2, red1,
           red2, mrg, idx_v, valid_v, rows_v, sh, sem):
        cid = lax.axis_index("c")
        sid = lax.axis_index("s")
        lane = lax.broadcasted_iota(jnp.int32, (16,), 0)
        sent16 = jnp.full((16,), I_SENT, jnp.int32)

        nchunk = NPAD // 16

        def init_body(i, c):
            for u in range(8):
                loc1[pl.ds((i * 8 + u) * 16, 16)] = sent16
                loc2[pl.ds((i * 8 + u) * 16, 16)] = sent16
            return c
        lax.fori_loop(0, 16 * nchunk // 8, init_body, 0)

        pltpu.sync_copy(p_hbm.at[pl.ds(sid * SAMP_PER_SC, SAMP_PER_SC)],
                        pchunk)

        lane_off = lane * NPAD

        def scan_body(k, c):
            for u in range(4):
                kk = k * 4 + u
                pv = pchunk[pl.ds(kk * 16, 16)]
                jv = sid * SAMP_PER_SC + kk * 16 + lane
                fidx = lane_off + pv
                cur1 = plsc.load_gather(loc1, [fidx])
                cur2 = plsc.load_gather(loc2, [fidx])
                plsc.store_scatter(loc1, [fidx], jnp.minimum(cur1, jv))
                plsc.store_scatter(loc2, [fidx],
                                   jnp.minimum(cur2, jnp.maximum(cur1, jv)))
            return c
        lax.fori_loop(0, SAMP_PER_SC // 64, scan_body, 0)

        def red_body(i, c):
            off = i * 16
            f = sent16
            s = sent16
            for l in range(16):
                c1 = loc1[pl.ds(l * NPAD + off, 16)]
                c2 = loc2[pl.ds(l * NPAD + off, 16)]
                s = jnp.minimum(jnp.maximum(f, c1), jnp.minimum(s, c2))
                f = jnp.minimum(f, c1)
            red1[pl.ds(off, 16)] = f
            red2[pl.ds(off, 16)] = s
            return c
        lax.fori_loop(0, nchunk, red_body, 0)

        pltpu.sync_copy(red1, sh.at[pl.ds(sid * NPAD, NPAD)])
        pltpu.sync_copy(red2, sh.at[pl.ds((16 + sid) * NPAD, NPAD)])
        plsc.subcore_barrier()
        pltpu.sync_copy(sh, mrg)

        pbase = sid * _ROWS_PER_W
        for k in range(3):
            off = pbase + k * 16
            f = sent16
            s = sent16
            for t in range(16):
                c1 = mrg[pl.ds(t * NPAD + off, 16)]
                c2 = mrg[pl.ds((16 + t) * NPAD + off, 16)]
                s = jnp.minimum(jnp.maximum(f, c1), jnp.minimum(s, c2))
                f = jnp.minimum(f, c1)
            my = jnp.where(cid == 0, f, s)
            idx_v[pl.ds(k * 16, 16)] = jnp.minimum(my, B - 1)
            valid_v[pl.ds(k * 16, 16)] = (s < I_SENT).astype(jnp.int32)

        pltpu.async_copy(emb_hbm.at[idx_v.at[pl.ds(0, _ROWS_PER_W)]],
                         rows_v, sem).wait()
        rowbase = jnp.where(cid == 0, pbase, NPAIR + pbase)
        pltpu.sync_copy(rows_v, rows_hbm.at[pl.ds(rowbase, _ROWS_PER_W)])

        @pl.when(cid == 0)
        def _():
            pltpu.sync_copy(valid_v.at[pl.ds(0, _ROWS_PER_W)],
                            valid2_hbm.at[pl.ds(pbase, _ROWS_PER_W)])

    return _g


def _sc_mine_gather(emb, p):
    return _make_sc_mine_gather()(emb, p)


def _dist_body(emb_ref, p_ref, a_ref, pos_ref, valid2_ref, loss_ref,
               minacc, qi16, qs8):
    step = pl.program_id(0)

    @pl.when(step == 0)
    def _():
        minacc[...] = jnp.full((16, NPAIR), F_BIG, jnp.bfloat16)
        q = lax.broadcasted_iota(jnp.int32, (DROWS, NPAIR), 1)
        qi16[...] = q.astype(jnp.int16)
        qs8[...] = (q // N_CLASSES).astype(jnp.int8)

    E = emb_ref[...]
    Eb = E.astype(jnp.bfloat16)
    Ab = a_ref[...].astype(jnp.bfloat16)
    G = lax.dot_general(Eb, Ab, (((1,), (1,)), ((), ())),
                        preferred_element_type=jnp.float32)
    en = jnp.sum(E * E, axis=1).astype(jnp.bfloat16)
    val = en[:, None] - 2.0 * G.astype(jnp.bfloat16)
    pr = p_ref[0, 0, :]
    pr16 = pr.astype(jnp.int16)[:, None]
    ps8 = (pr // N_CLASSES).astype(jnp.int8)[:, None]
    mask = (ps8 == qs8[...]) & (pr16 != qi16[...])
    masked = jnp.where(mask, val, jnp.bfloat16(F_BIG))
    mstep = jnp.min(masked.reshape(DROWS // 16, 16, NPAIR), axis=0)
    minacc[...] = jnp.minimum(minacc[...], mstep)

    @pl.when(step == DNBLK - 1)
    def _():
        A = a_ref[...]
        P = pos_ref[...]
        an2 = jnp.sum(A * A, axis=1)
        mn = jnp.min(minacc[...], axis=0).astype(jnp.float32)
        d_an = jnp.sqrt(jnp.maximum(mn + an2, 0.0))
        dif = A - P + EPS
        d_ap = jnp.sqrt(jnp.sum(dif * dif, axis=1))
        valid = (valid2_ref[...] > 0) & (mn < 1e29)
        term = jnp.where(valid, jnp.maximum(d_ap - d_an + MARGIN, 0.0), 0.0)
        total = jnp.sum(term)
        count = jnp.sum(valid.astype(jnp.float32))
        loss = jnp.where(count > 0.0, total / jnp.maximum(count, 1.0),
                         jnp.float32(0.0))
        loss_ref[...] = jnp.broadcast_to(loss, (1, 1))


def _dist(emb, p3, a_rows, p_rows, valid2):
    return pl.pallas_call(
        _dist_body,
        grid=(DNBLK,),
        in_specs=[
            pl.BlockSpec((DROWS, D), lambda s: (s, 0)),
            pl.BlockSpec((1, 1, DROWS), lambda s: (s, 0, 0)),
            pl.BlockSpec((NPAIR, D), lambda s: (0, 0)),
            pl.BlockSpec((NPAIR, D), lambda s: (1, 0)),
            pl.BlockSpec((NPAIR,), lambda s: (0,)),
        ],
        out_specs=pl.BlockSpec((1, 1), lambda s: (0, 0)),
        out_shape=jax.ShapeDtypeStruct((1, 1), jnp.float32),
        scratch_shapes=[pltpu.VMEM((16, NPAIR), jnp.bfloat16),
                        pltpu.VMEM((DROWS, NPAIR), jnp.int16),
                        pltpu.VMEM((DROWS, NPAIR), jnp.int8)],
    )(emb, p3, a_rows, p_rows, valid2)


def kernel(emb, labels, sbj):
    p = sbj * N_CLASSES + labels
    rows, valid2 = _sc_mine_gather(emb, p)
    loss = _dist(emb, p.reshape(DNBLK, 1, DROWS), rows, rows, valid2)
    return loss.reshape(())

# --- scband reference (transcript-rebuilt; emitter-appended) ---
"""Pipeline reference for scband-within-subject-triplet-loss-58308476010841 (READ-ONLY COPY).

The authoritative reference and input builder live on the scoring server;
editing this copy changes nothing except your own understanding.
"""

import jax, jax.numpy as jnp
import numpy as np
from jax import lax

B = 16384
D = 256
N_CLASSES = 6
N_SUBJECTS = 100
MARGIN = 1.0
EPS = 1e-6  # torch F.pairwise_distance eps used inside TripletMarginLoss


def setup_inputs(seed: int = 0) -> dict:
    key = jax.random.key(seed)
    k1, k2, k3 = jax.random.split(key, 3)
    emb = jax.random.normal(k1, (B, D), dtype=jnp.float32)
    labels = jax.random.randint(k2, (B,), 0, N_CLASSES, dtype=jnp.int32)
    sbj = jax.random.randint(k3, (B,), 0, N_SUBJECTS, dtype=jnp.int32)
    return {"emb": emb, "labels": labels, "sbj": sbj}


def reference(emb, labels, sbj):
    def per_pair(pair_idx):
        s = pair_idx // N_CLASSES
        cls = pair_idx % N_CLASSES
        subj_mask = sbj == s
        pos_mask = subj_mask & (labels == cls)
        neg_mask = subj_mask & (labels != cls)
        n_pos = jnp.sum(pos_mask)
        n_neg = jnp.sum(neg_mask)
        valid = (n_pos >= 2) & (n_neg >= 1)
        rank = jnp.cumsum(pos_mask)
        i_anchor = jnp.argmax(pos_mask & (rank == 1))
        i_pos = jnp.argmax(pos_mask & (rank == 2))
        anchor = emb[i_anchor]
        pos = emb[i_pos]
        # torch.cdist(anchor[None], neg_embs).squeeze(0), p=2
        dists = jnp.sqrt(jnp.sum((emb - anchor[None, :]) ** 2, axis=1))
        dists = jnp.where(neg_mask, dists, jnp.inf)
        hard_neg = emb[jnp.argmin(dists)]
        # nn.TripletMarginLoss(margin, p=2, reduction='mean'):
        # mean(clamp(||a-p+eps|| - ||a-n+eps|| + margin, min=0))
        d_ap = jnp.sqrt(jnp.sum((anchor - pos + EPS) ** 2))
        d_an = jnp.sqrt(jnp.sum((anchor - hard_neg + EPS) ** 2))
        term = jnp.maximum(d_ap - d_an + MARGIN, 0.0)
        return jnp.where(valid, term, jnp.float32(0.0)), valid

    pair_indices = jnp.arange(N_SUBJECTS * N_CLASSES, dtype=jnp.int32)
    terms, valids = lax.map(per_pair, pair_indices)
    total = jnp.sum(terms)
    count = jnp.sum(valids)
    loss = jnp.where(
        count > 0,
        total / jnp.maximum(count, 1).astype(jnp.float32),
        jnp.float32(0.0),
    )
    return loss


if False:  # reference __main__ guard neutralized (emitter)
    out = reference(**setup_inputs())
    print(out)

if __name__ == "__main__":
    import jax
    _d = setup_inputs()
    print(jax.jit(kernel)(*tuple(_d.values())))

</pallas_src>

<mosaic_0001>
#map = affine_map<(d0, d1) -> (0, 0)>
#map1 = affine_map<(d0, d1) -> (0)>
module attributes {stable_mosaic.version = 14 : i64} {
  func.func @_g(%arg0: i32, %arg1: i32, %arg2: memref<16384x256xf32, #tpu.memory_space<hbm>>, %arg3: memref<16384xi32, #tpu.memory_space<hbm>>, %arg4: memref<1280x256xf32, #tpu.memory_space<hbm>>, %arg5: memref<640xi32, #tpu.memory_space<hbm>>, %arg6: memref<1024xi32, #tpu.memory_space<vmem>>, %arg7: memref<10496xi32, #tpu.memory_space<vmem>>, %arg8: memref<10496xi32, #tpu.memory_space<vmem>>, %arg9: memref<656xi32, #tpu.memory_space<vmem>>, %arg10: memref<656xi32, #tpu.memory_space<vmem>>, %arg11: memref<20992xi32, #tpu.memory_space<vmem>>, %arg12: memref<48xi32, #tpu.memory_space<vmem>>, %arg13: memref<48xi32, #tpu.memory_space<vmem>>, %arg14: memref<40x256xf32, #tpu.memory_space<vmem>>, %arg15: memref<20992xi32, #tpu.memory_space<vmem_shared>>, %arg16: memref<!tpu.dma_semaphore, #tpu.memory_space<semaphore_mem>>) attributes {dimension_semantics = [#tpu.dimension_semantics<core_parallel>, #tpu.dimension_semantics<subcore_parallel>], iteration_bounds = array<i64: 2, 16>, scalar_prefetch = 0 : i64, scratch_operands = 11 : i64, tpu.core_type = #tpu.core_type<sc_vector_subcore>, window_params = [{transform_indices = #map}, {transform_indices = #map1}, {transform_indices = #map}, {transform_indices = #map1}]} {
    %iota3A = tpu.iota {dimensions = array<i32: 0>} : vector<16xi32>
    %broadcast_in_dim3A = arith.constant 1073741824 : i32
    %broadcast_in_dim3A_0 = vector.broadcast %broadcast_in_dim3A : i32 to vector<16xi32>
    %scan3A = arith.constant 0 : i32
    %scan3A_1 = arith.constant 0 : i32
    %scan3A_2 = arith.constant 82 : i32
    %scan3A_3 = arith.addi %scan3A_1, %scan3A_2 : i32
    %scan3A_4 = arith.constant 1 : i32
    scf.for %scan3A_662 = %scan3A_1 to %scan3A_3 step %scan3A_4  : i32 {
      %mul3A_663 = arith.constant 8 : i32
      %mul3A_664 = arith.muli %scan3A_662, %mul3A_663 : i32
      %add3A_665 = arith.constant 0 : i32
      %add3A_666 = arith.addi %mul3A_664, %add3A_665 : i32
      %mul3A_667 = arith.constant 16 : i32
      %mul3A_668 = arith.muli %add3A_666, %mul3A_667 : i32
      %swap3A_669 = arith.index_cast %mul3A_668 : i32 to index
      %swap3A_670 = tpu.vector_load %arg7[%swap3A_669] {strides = array<i32>} : memref<10496xi32, #tpu.memory_space<vmem>>, vector<16xi32>,
      tpu.vector_store %arg7[%swap3A_669], %broadcast_in_dim3A_0 {strides = array<i32>} : memref<10496xi32, #tpu.memory_space<vmem>>, vector<16xi32>,
      %mul3A_671 = arith.constant 8 : i32
      %mul3A_672 = arith.muli %scan3A_662, %mul3A_671 : i32
      %add3A_673 = arith.constant 0 : i32
      %add3A_674 = arith.addi %mul3A_672, %add3A_673 : i32
      %mul3A_675 = arith.constant 16 : i32
      %mul3A_676 = arith.muli %add3A_674, %mul3A_675 : i32
      %swap3A_677 = arith.index_cast %mul3A_676 : i32 to index
      %swap3A_678 = tpu.vector_load %arg8[%swap3A_677] {strides = array<i32>} : memref<10496xi32, #tpu.memory_space<vmem>>, vector<16xi32>,
      tpu.vector_store %arg8[%swap3A_677], %broadcast_in_dim3A_0 {strides = array<i32>} : memref<10496xi32, #tpu.memory_space<vmem>>, vector<16xi32>,
      %mul3A_679 = arith.constant 8 : i32
      %mul3A_680 = arith.muli %scan3A_662, %mul3A_679 : i32
      %add3A_681 = arith.constant 1 : i32
      %add3A_682 = arith.addi %mul3A_680, %add3A_681 : i32
      %mul3A_683 = arith.constant 16 : i32
      %mul3A_684 = arith.muli %add3A_682, %mul3A_683 : i32
      %swap3A_685 = arith.index_cast %mul3A_684 : i32 to index
      %swap3A_686 = tpu.vector_load %arg7[%swap3A_685] {strides = array<i32>} : memref<10496xi32, #tpu.memory_space<vmem>>, vector<16xi32>,
      tpu.vector_store %arg7[%swap3A_685], %broadcast_in_dim3A_0 {strides = array<i32>} : memref<10496xi32, #tpu.memory_space<vmem>>, vector<16xi32>,
      %mul3A_687 = arith.constant 8 : i32
      %mul3A_688 = arith.muli %scan3A_662, %mul3A_687 : i32
      %add3A_689 = arith.constant 1 : i32
      %add3A_690 = arith.addi %mul3A_688, %add3A_689 : i32
      %mul3A_691 = arith.constant 16 : i32
      %mul3A_692 = arith.muli %add3A_690, %mul3A_691 : i32
      %swap3A_693 = arith.index_cast %mul3A_692 : i32 to index
      %swap3A_694 = tpu.vector_load %arg8[%swap3A_693] {strides = array<i32>} : memref<10496xi32, #tpu.memory_space<vmem>>, vector<16xi32>,
      tpu.vector_store %arg8[%swap3A_693], %broadcast_in_dim3A_0 {strides = array<i32>} : memref<10496xi32, #tpu.memory_space<vmem>>, vector<16xi32>,
      %mul3A_695 = arith.constant 8 : i32
      %mul3A_696 = arith.muli %scan3A_662, %mul3A_695 : i32
      %add3A_697 = arith.constant 2 : i32
      %add3A_698 = arith.addi %mul3A_696, %add3A_697 : i32
      %mul3A_699 = arith.constant 16 : i32
      %mul3A_700 = arith.muli %add3A_698, %mul3A_699 : i32
      %swap3A_701 = arith.index_cast %mul3A_700 : i32 to index
      %swap3A_702 = tpu.vector_load %arg7[%swap3A_701] {strides = array<i32>} : memref<10496xi32, #tpu.memory_space<vmem>>, vector<16xi32>,
      tpu.vector_store %arg7[%swap3A_701], %broadcast_in_dim3A_0 {strides = array<i32>} : memref<10496xi32, #tpu.memory_space<vmem>>, vector<16xi32>,
      %mul3A_703 = arith.constant 8 : i32
      %mul3A_704 = arith.muli %scan3A_662, %mul3A_703 : i32
      %add3A_705 = arith.constant 2 : i32
      %add3A_706 = arith.addi %mul3A_704, %add3A_705 : i32
      %mul3A_707 = arith.constant 16 : i32
      %mul3A_708 = arith.muli %add3A_706, %mul3A_707 : i32
      %swap3A_709 = arith.index_cast %mul3A_708 : i32 to index
      %swap3A_710 = tpu.vector_load %arg8[%swap3A_709] {strides = array<i32>} : memref<10496xi32, #tpu.memory_space<vmem>>, vector<16xi32>,
      tpu.vector_store %arg8[%swap3A_709], %broadcast_in_dim3A_0 {strides = array<i32>} : memref<10496xi32, #tpu.memory_space<vmem>>, vector<16xi32>,
      %mul3A_711 = arith.constant 8 : i32
      %mul3A_712 = arith.muli %scan3A_662, %mul3A_711 : i32
      %add3A_713 = arith.constant 3 : i32
      %add3A_714 = arith.addi %mul3A_712, %add3A_713 : i32
      %mul3A_715 = arith.constant 16 : i32
      %mul3A_716 = arith.muli %add3A_714, %mul3A_715 : i32
      %swap3A_717 = arith.index_cast %mul3A_716 : i32 to index
      %swap3A_718 = tpu.vector_load %arg7[%swap3A_717] {strides = array<i32>} : memref<10496xi32, #tpu.memory_space<vmem>>, vector<16xi32>,
      tpu.vector_store %arg7[%swap3A_717], %broadcast_in_dim3A_0 {strides = array<i32>} : memref<10496xi32, #tpu.memory_space<vmem>>, vector<16xi32>,
      %mul3A_719 = arith.constant 8 : i32
      %mul3A_720 = arith.muli %scan3A_662, %mul3A_719 : i32
      %add3A_721 = arith.constant 3 : i32
      %add3A_722 = arith.addi %mul3A_720, %add3A_721 : i32
      %mul3A_723 = arith.constant 16 : i32
      %mul3A_724 = arith.muli %add3A_722, %mul3A_723 : i32
      %swap3A_725 = arith.index_cast %mul3A_724 : i32 to index
      %swap3A_726 = tpu.vector_load %arg8[%swap3A_725] {strides = array<i32>} : memref<10496xi32, #tpu.memory_space<vmem>>, vector<16xi32>,
      tpu.vector_store %arg8[%swap3A_725], %broadcast_in_dim3A_0 {strides = array<i32>} : memref<10496xi32, #tpu.memory_space<vmem>>, vector<16xi32>,
      %mul3A_727 = arith.constant 8 : i32
      %mul3A_728 = arith.muli %scan3A_662, %mul3A_727 : i32
      %add3A_729 = arith.constant 4 : i32
      %add3A_730 = arith.addi %mul3A_728, %add3A_729 : i32
      %mul3A_731 = arith.constant 16 : i32
      %mul3A_732 = arith.muli %add3A_730, %mul3A_731 : i32
      %swap3A_733 = arith.index_cast %mul3A_732 : i32 to index
      %swap3A_734 = tpu.vector_load %arg7[%swap3A_733] {strides = array<i32>} : memref<10496xi32, #tpu.memory_space<vmem>>, vector<16xi32>,
      tpu.vector_store %arg7[%swap3A_733], %broadcast_in_dim3A_0 {strides = array<i32>} : memref<10496xi32, #tpu.memory_space<vmem>>, vector<16xi32>,
      %mul3A_735 = arith.constant 8 : i32
      %mul3A_736 = arith.muli %scan3A_662, %mul3A_735 : i32
      %add3A_737 = arith.constant 4 : i32
      %add3A_738 = arith.addi %mul3A_736, %add3A_737 : i32
      %mul3A_739 = arith.constant 16 : i32
      %mul3A_740 = arith.muli %add3A_738, %mul3A_739 : i32
      %swap3A_741 = arith.index_cast %mul3A_740 : i32 to index
      %swap3A_742 = tpu.vector_load %arg8[%swap3A_741] {strides = array<i32>} : memref<10496xi32, #tpu.memory_space<vmem>>, vector<16xi32>,
      tpu.vector_store %arg8[%swap3A_741], %broadcast_in_dim3A_0 {strides = array<i32>} : memref<10496xi32, #tpu.memory_space<vmem>>, vector<16xi32>,
      %mul3A_743 = arith.constant 8 : i32
      %mul3A_744 = arith.muli %scan3A_662, %mul3A_743 : i32
      %add3A_745 = arith.constant 5 : i32
      %add3A_746 = arith.addi %mul3A_744, %add3A_745 : i32
      %mul3A_747 = arith.constant 16 : i32
      %mul3A_748 = arith.muli %add3A_746, %mul3A_747 : i32
      %swap3A_749 = arith.index_cast %mul3A_748 : i32 to index
      %swap3A_750 = tpu.vector_load %arg7[%swap3A_749] {strides = array<i32>} : memref<10496xi32, #tpu.memory_space<vmem>>, vector<16xi32>,
      tpu.vector_store %arg7[%swap3A_749], %broadcast_in_dim3A_0 {strides = array<i32>} : memref<10496xi32, #tpu.memory_space<vmem>>, vector<16xi32>,
      %mul3A_751 = arith.constant 8 : i32
      %mul3A_752 = arith.muli %scan3A_662, %mul3A_751 : i32
      %add3A_753 = arith.constant 5 : i32
      %add3A_754 = arith.addi %mul3A_752, %add3A_753 : i32
      %mul3A_755 = arith.constant 16 : i32
      %mul3A_756 = arith.muli %add3A_754, %mul3A_755 : i32
      %swap3A_757 = arith.index_cast %mul3A_756 : i32 to index
      %swap3A_758 = tpu.vector_load %arg8[%swap3A_757] {strides = array<i32>} : memref<10496xi32, #tpu.memory_space<vmem>>, vector<16xi32>,
      tpu.vector_store %arg8[%swap3A_757], %broadcast_in_dim3A_0 {strides = array<i32>} : memref<10496xi32, #tpu.memory_space<vmem>>, vector<16xi32>,
      %mul3A_759 = arith.constant 8 : i32
      %mul3A_760 = arith.muli %scan3A_662, %mul3A_759 : i32
      %add3A_761 = arith.constant 6 : i32
      %add3A_762 = arith.addi %mul3A_760, %add3A_761 : i32
      %mul3A_763 = arith.constant 16 : i32
      %mul3A_764 = arith.muli %add3A_762, %mul3A_763 : i32
      %swap3A_765 = arith.index_cast %mul3A_764 : i32 to index
      %swap3A_766 = tpu.vector_load %arg7[%swap3A_765] {strides = array<i32>} : memref<10496xi32, #tpu.memory_space<vmem>>, vector<16xi32>,
      tpu.vector_store %arg7[%swap3A_765], %broadcast_in_dim3A_0 {strides = array<i32>} : memref<10496xi32, #tpu.memory_space<vmem>>, vector<16xi32>,
      %mul3A_767 = arith.constant 8 : i32
      %mul3A_768 = arith.muli %scan3A_662, %mul3A_767 : i32
      %add3A_769 = arith.constant 6 : i32
      %add3A_770 = arith.addi %mul3A_768, %add3A_769 : i32
      %mul3A_771 = arith.constant 16 : i32
      %mul3A_772 = arith.muli %add3A_770, %mul3A_771 : i32
      %swap3A_773 = arith.index_cast %mul3A_772 : i32 to index
      %swap3A_774 = tpu.vector_load %arg8[%swap3A_773] {strides = array<i32>} : memref<10496xi32, #tpu.memory_space<vmem>>, vector<16xi32>,
      tpu.vector_store %arg8[%swap3A_773], %broadcast_in_dim3A_0 {strides = array<i32>} : memref<10496xi32, #tpu.memory_space<vmem>>, vector<16xi32>,
      %mul3A_775 = arith.constant 8 : i32
      %mul3A_776 = arith.muli %scan3A_662, %mul3A_775 : i32
      %add3A_777 = arith.constant 7 : i32
      %add3A_778 = arith.addi %mul3A_776, %add3A_777 : i32
      %mul3A_779 = arith.constant 16 : i32
      %mul3A_780 = arith.muli %add3A_778, %mul3A_779 : i32
      %swap3A_781 = arith.index_cast %mul3A_780 : i32 to index
      %swap3A_782 = tpu.vector_load %arg7[%swap3A_781] {strides = array<i32>} : memref<10496xi32, #tpu.memory_space<vmem>>, vector<16xi32>,
      tpu.vector_store %arg7[%swap3A_781], %broadcast_in_dim3A_0 {strides = array<i32>} : memref<10496xi32, #tpu.memory_space<vmem>>, vector<16xi32>,
      %mul3A_783 = arith.constant 8 : i32
      %mul3A_784 = arith.muli %scan3A_662, %mul3A_783 : i32
      %add3A_785 = arith.constant 7 : i32
      %add3A_786 = arith.addi %mul3A_784, %add3A_785 : i32
      %mul3A_787 = arith.constant 16 : i32
      %mul3A_788 = arith.muli %add3A_786, %mul3A_787 : i32
      %swap3A_789 = arith.index_cast %mul3A_788 : i32 to index
      %swap3A_790 = tpu.vector_load %arg8[%swap3A_789] {strides = array<i32>} : memref<10496xi32, #tpu.memory_space<vmem>>, vector<16xi32>,
      tpu.vector_store %arg8[%swap3A_789], %broadcast_in_dim3A_0 {strides = array<i32>} : memref<10496xi32, #tpu.memory_space<vmem>>, vector<16xi32>,
    }
    %scan3A_5 = arith.constant 82 : i32
    %mul3A = arith.constant 1024 : i32
    %mul3A_6 = arith.muli %arg1, %mul3A : i32
    "tpu.region"() ({
      %run_scoped3A = tpu.sem_alloc : memref<!tpu.dma_semaphore, #tpu.memory_space<semaphore_mem>>
      %dma_start3A_662 = tpu.memref_slice %arg3[%mul3A_6] : memref<16384xi32, #tpu.memory_space<hbm>> -> memref<1024xi32, #tpu.memory_space<hbm>>
      %dma_start3A_663 = tpu.memref_slice %arg3[%mul3A_6] : memref<16384xi32, #tpu.memory_space<hbm>> -> memref<1024xi32, #tpu.memory_space<hbm>>
      tpu.enqueue_dma source(%dma_start3A_663 : memref<1024xi32, #tpu.memory_space<hbm>>) target(%arg6 : memref<1024xi32, #tpu.memory_space<vmem>>) target_semaphore(%run_scoped3A : memref<!tpu.dma_semaphore, #tpu.memory_space<semaphore_mem>>)
      %dma_wait3A_664 = tpu.memref_slice %arg3[%mul3A_6] : memref<16384xi32, #tpu.memory_space<hbm>> -> memref<1024xi32, #tpu.memory_space<hbm>>
      %dma_wait3A_665 = tpu.memref_slice %arg3[%mul3A_6] : memref<16384xi32, #tpu.memory_space<hbm>> -> memref<1024xi32, #tpu.memory_space<hbm>>
      tpu.wait_dma2 semaphore(%run_scoped3A : memref<!tpu.dma_semaphore, #tpu.memory_space<semaphore_mem>>) src(%dma_wait3A_665 : memref<1024xi32, #tpu.memory_space<hbm>>) dst(%arg6 : memref<1024xi32, #tpu.memory_space<vmem>>)
      tpu.yield
    }) : () -> ()
    %mul3A_7 = arith.constant 656 : i32
    %mul3A_8 = vector.broadcast %mul3A_7 : i32 to vector<16xi32>
    %mul3A_9 = arith.muli %iota3A, %mul3A_8 : vector<16xi32>
    %scan3A_10 = arith.constant 0 : i32
    %scan3A_11 = arith.constant 0 : i32
    %scan3A_12 = arith.constant 16 : i32
    %scan3A_13 = arith.addi %scan3A_11, %scan3A_12 : i32
    %scan3A_14 = arith.constant 1 : i32
    scf.for %scan3A_662 = %scan3A_11 to %scan3A_13 step %scan3A_14  : i32 {
      %mul3A_663 = arith.constant 4 : i32
      %mul3A_664 = arith.muli %scan3A_662, %mul3A_663 : i32
      %add3A_665 = arith.constant 0 : i32
      %add3A_666 = arith.addi %mul3A_664, %add3A_665 : i32
      %mul3A_667 = arith.constant 16 : i32
      %mul3A_668 = arith.muli %add3A_666, %mul3A_667 : i32
      %get3A_669 = arith.index_cast %mul3A_668 : i32 to index
      %get3A_670 = tpu.vector_load %arg6[%get3A_669] {strides = array<i32>} : memref<1024xi32, #tpu.memory_space<vmem>>, vector<16xi32>,
      %mul3A_671 = arith.constant 1024 : i32
      %mul3A_672 = arith.muli %arg1, %mul3A_671 : i32
      %mul3A_673 = arith.constant 16 : i32
      %mul3A_674 = arith.muli %add3A_666, %mul3A_673 : i32
      %add3A_675 = arith.addi %mul3A_672, %mul3A_674 : i32
      %add3A_676 = vector.broadcast %add3A_675 : i32 to vector<16xi32>
      %add3A_677 = arith.addi %add3A_676, %iota3A : vector<16xi32>
      %add3A_678 = arith.addi %mul3A_9, %get3A_670 : vector<16xi32>
      %gather3A = tpu.vector_load_idx %arg7[%add3A_678] : memref<10496xi32, #tpu.memory_space<vmem>>[vector<16xi32>], vector<16xi32>,
      %gather3A_679 = tpu.vector_load_idx %arg8[%add3A_678] : memref<10496xi32, #tpu.memory_space<vmem>>[vector<16xi32>], vector<16xi32>,
      %min3A_680 = arith.minsi %gather3A, %add3A_677 : vector<16xi32>
      tpu.vector_store_idx %arg7[%add3A_678], %min3A_680 : memref<10496xi32, #tpu.memory_space<vmem>>[vector<16xi32>], vector<16xi32>,
      %max3A_681 = arith.maxsi %gather3A, %add3A_677 : vector<16xi32>
      %min3A_682 = arith.minsi %gather3A_679, %max3A_681 : vector<16xi32>
      tpu.vector_store_idx %arg8[%add3A_678], %min3A_682 : memref<10496xi32, #tpu.memory_space<vmem>>[vector<16xi32>], vector<16xi32>,
      %mul3A_683 = arith.constant 4 : i32
      %mul3A_684 = arith.muli %scan3A_662, %mul3A_683 : i32
      %add3A_685 = arith.constant 1 : i32
      %add3A_686 = arith.addi %mul3A_684, %add3A_685 : i32
      %mul3A_687 = arith.constant 16 : i32
      %mul3A_688 = arith.muli %add3A_686, %mul3A_687 : i32
      %get3A_689 = arith.index_cast %mul3A_688 : i32 to index
      %get3A_690 = tpu.vector_load %arg6[%get3A_689] {strides = array<i32>} : memref<1024xi32, #tpu.memory_space<vmem>>, vector<16xi32>,
      %mul3A_691 = arith.constant 1024 : i32
      %mul3A_692 = arith.muli %arg1, %mul3A_691 : i32
      %mul3A_693 = arith.constant 16 : i32
      %mul3A_694 = arith.muli %add3A_686, %mul3A_693 : i32
      %add3A_695 = arith.addi %mul3A_692, %mul3A_694 : i32
      %add3A_696 = vector.broadcast %add3A_695 : i32 to vector<16xi32>
      %add3A_697 = arith.addi %add3A_696, %iota3A : vector<16xi32>
      %add3A_698 = arith.addi %mul3A_9, %get3A_690 : vector<16xi32>
      %gather3A_699 = tpu.vector_load_idx %arg7[%add3A_698] : memref<10496xi32, #tpu.memory_space<vmem>>[vector<16xi32>], vector<16xi32>,
      %gather3A_700 = tpu.vector_load_idx %arg8[%add3A_698] : memref<10496xi32, #tpu.memory_space<vmem>>[vector<16xi32>], vector<16xi32>,
      %min3A_701 = arith.minsi %gather3A_699, %add3A_697 : vector<16xi32>
      tpu.vector_store_idx %arg7[%add3A_698], %min3A_701 : memref<10496xi32, #tpu.memory_space<vmem>>[vector<16xi32>], vector<16xi32>,
      %max3A_702 = arith.maxsi %gather3A_699, %add3A_697 : vector<16xi32>
      %min3A_703 = arith.minsi %gather3A_700, %max3A_702 : vector<16xi32>
      tpu.vector_store_idx %arg8[%add3A_698], %min3A_703 : memref<10496xi32, #tpu.memory_space<vmem>>[vector<16xi32>], vector<16xi32>,
      %mul3A_704 = arith.constant 4 : i32
      %mul3A_705 = arith.muli %scan3A_662, %mul3A_704 : i32
      %add3A_706 = arith.constant 2 : i32
      %add3A_707 = arith.addi %mul3A_705, %add3A_706 : i32
      %mul3A_708 = arith.constant 16 : i32
      %mul3A_709 = arith.muli %add3A_707, %mul3A_708 : i32
      %get3A_710 = arith.index_cast %mul3A_709 : i32 to index
      %get3A_711 = tpu.vector_load %arg6[%get3A_710] {strides = array<i32>} : memref<1024xi32, #tpu.memory_space<vmem>>, vector<16xi32>,
      %mul3A_712 = arith.constant 1024 : i32
      %mul3A_713 = arith.muli %arg1, %mul3A_712 : i32
      %mul3A_714 = arith.constant 16 : i32
      %mul3A_715 = arith.muli %add3A_707, %mul3A_714 : i32
      %add3A_716 = arith.addi %mul3A_713, %mul3A_715 : i32
      %add3A_717 = vector.broadcast %add3A_716 : i32 to vector<16xi32>
      %add3A_718 = arith.addi %add3A_717, %iota3A : vector<16xi32>
      %add3A_719 = arith.addi %mul3A_9, %get3A_711 : vector<16xi32>
      %gather3A_720 = tpu.vector_load_idx %arg7[%add3A_719] : memref<10496xi32, #tpu.memory_space<vmem>>[vector<16xi32>], vector<16xi32>,
      %gather3A_721 = tpu.vector_load_idx %arg8[%add3A_719] : memref<10496xi32, #tpu.memory_space<vmem>>[vector<16xi32>], vector<16xi32>,
      %min3A_722 = arith.minsi %gather3A_720, %add3A_718 : vector<16xi32>
      tpu.vector_store_idx %arg7[%add3A_719], %min3A_722 : memref<10496xi32, #tpu.memory_space<vmem>>[vector<16xi32>], vector<16xi32>,
      %max3A_723 = arith.maxsi %gather3A_720, %add3A_718 : vector<16xi32>
      %min3A_724 = arith.minsi %gather3A_721, %max3A_723 : vector<16xi32>
      tpu.vector_store_idx %arg8[%add3A_719], %min3A_724 : memref<10496xi32, #tpu.memory_space<vmem>>[vector<16xi32>], vector<16xi32>,
      %mul3A_725 = arith.constant 4 : i32
      %mul3A_726 = arith.muli %scan3A_662, %mul3A_725 : i32
      %add3A_727 = arith.constant 3 : i32
      %add3A_728 = arith.addi %mul3A_726, %add3A_727 : i32
      %mul3A_729 = arith.constant 16 : i32
      %mul3A_730 = arith.muli %add3A_728, %mul3A_729 : i32
      %get3A_731 = arith.index_cast %mul3A_730 : i32 to index
      %get3A_732 = tpu.vector_load %arg6[%get3A_731] {strides = array<i32>} : memref<1024xi32, #tpu.memory_space<vmem>>, vector<16xi32>,
      %mul3A_733 = arith.constant 1024 : i32
      %mul3A_734 = arith.muli %arg1, %mul3A_733 : i32
      %mul3A_735 = arith.constant 16 : i32
      %mul3A_736 = arith.muli %add3A_728, %mul3A_735 : i32
      %add3A_737 = arith.addi %mul3A_734, %mul3A_736 : i32
      %add3A_738 = vector.broadcast %add3A_737 : i32 to vector<16xi32>
      %add3A_739 = arith.addi %add3A_738, %iota3A : vector<16xi32>
      %add3A_740 = arith.addi %mul3A_9, %get3A_732 : vector<16xi32>
      %gather3A_741 = tpu.vector_load_idx %arg7[%add3A_740] : memref<10496xi32, #tpu.memory_space<vmem>>[vector<16xi32>], vector<16xi32>,
      %gather3A_742 = tpu.vector_load_idx %arg8[%add3A_740] : memref<10496xi32, #tpu.memory_space<vmem>>[vector<16xi32>], vector<16xi32>,
      %min3A_743 = arith.minsi %gather3A_741, %add3A_739 : vector<16xi32>
      tpu.vector_store_idx %arg7[%add3A_740], %min3A_743 : memref<10496xi32, #tpu.memory_space<vmem>>[vector<16xi32>], vector<16xi32>,
      %max3A_744 = arith.maxsi %gather3A_741, %add3A_739 : vector<16xi32>
      %min3A_745 = arith.minsi %gather3A_742, %max3A_744 : vector<16xi32>
      tpu.vector_store_idx %arg8[%add3A_740], %min3A_745 : memref<10496xi32, #tpu.memory_space<vmem>>[vector<16xi32>], vector<16xi32>,
    }
    %scan3A_15 = arith.constant 16 : i32
    %scan3A_16 = arith.constant 0 : i32
    %scan3A_17 = arith.constant 0 : i32
    %scan3A_18 = arith.constant 41 : i32
    %scan3A_19 = arith.addi %scan3A_17, %scan3A_18 : i32
    %scan3A_20 = arith.constant 1 : i32
    scf.for %scan3A_662 = %scan3A_17 to %scan3A_19 step %scan3A_20  : i32 {
      %mul3A_663 = arith.constant 16 : i32
      %mul3A_664 = arith.muli %scan3A_662, %mul3A_663 : i32
      %add3A_665 = arith.constant 0 : i32
      %add3A_666 = arith.addi %add3A_665, %mul3A_664 : i32
      %get3A_667 = arith.index_cast %add3A_666 : i32 to index
      %get3A_668 = tpu.vector_load %arg7[%get3A_667] {strides = array<i32>} : memref<10496xi32, #tpu.memory_space<vmem>>, vector<16xi32>,
      %add3A_669 = arith.constant 0 : i32
      %add3A_670 = arith.addi %add3A_669, %mul3A_664 : i32
      %get3A_671 = arith.index_cast %add3A_670 : i32 to index
      %get3A_672 = tpu.vector_load %arg8[%get3A_671] {strides = array<i32>} : memref<10496xi32, #tpu.memory_space<vmem>>, vector<16xi32>,
      %max3A_673 = arith.maxsi %broadcast_in_dim3A_0, %get3A_668 : vector<16xi32>
      %min3A_674 = arith.minsi %broadcast_in_dim3A_0, %get3A_672 : vector<16xi32>
      %min3A_675 = arith.minsi %max3A_673, %min3A_674 : vector<16xi32>
      %min3A_676 = arith.minsi %broadcast_in_dim3A_0, %get3A_668 : vector<16xi32>
      %add3A_677 = arith.constant 656 : i32
      %add3A_678 = arith.addi %add3A_677, %mul3A_664 : i32
      %get3A_679 = arith.index_cast %add3A_678 : i32 to index
      %get3A_680 = tpu.vector_load %arg7[%get3A_679] {strides = array<i32>} : memref<10496xi32, #tpu.memory_space<vmem>>, vector<16xi32>,
      %add3A_681 = arith.constant 656 : i32
      %add3A_682 = arith.addi %add3A_681, %mul3A_664 : i32
      %get3A_683 = arith.index_cast %add3A_682 : i32 to index
      %get3A_684 = tpu.vector_load %arg8[%get3A_683] {strides = array<i32>} : memref<10496xi32, #tpu.memory_space<vmem>>, vector<16xi32>,
      %max3A_685 = arith.maxsi %min3A_676, %get3A_680 : vector<16xi32>
      %min3A_686 = arith.minsi %min3A_675, %get3A_684 : vector<16xi32>
      %min3A_687 = arith.minsi %max3A_685, %min3A_686 : vector<16xi32>
      %min3A_688 = arith.minsi %min3A_676, %get3A_680 : vector<16xi32>
      %add3A_689 = arith.constant 1312 : i32
      %add3A_690 = arith.addi %add3A_689, %mul3A_664 : i32
      %get3A_691 = arith.index_cast %add3A_690 : i32 to index
      %get3A_692 = tpu.vector_load %arg7[%get3A_691] {strides = array<i32>} : memref<10496xi32, #tpu.memory_space<vmem>>, vector<16xi32>,
      %add3A_693 = arith.constant 1312 : i32
      %add3A_694 = arith.addi %add3A_693, %mul3A_664 : i32
      %get3A_695 = arith.index_cast %add3A_694 : i32 to index
      %get3A_696 = tpu.vector_load %arg8[%get3A_695] {strides = array<i32>} : memref<10496xi32, #tpu.memory_space<vmem>>, vector<16xi32>,
      %max3A_697 = arith.maxsi %min3A_688, %get3A_692 : vector<16xi32>
      %min3A_698 = arith.minsi %min3A_687, %get3A_696 : vector<16xi32>
      %min3A_699 = arith.minsi %max3A_697, %min3A_698 : vector<16xi32>
      %min3A_700 = arith.minsi %min3A_688, %get3A_692 : vector<16xi32>
      %add3A_701 = arith.constant 1968 : i32
      %add3A_702 = arith.addi %add3A_701, %mul3A_664 : i32
      %get3A_703 = arith.index_cast %add3A_702 : i32 to index
      %get3A_704 = tpu.vector_load %arg7[%get3A_703] {strides = array<i32>} : memref<10496xi32, #tpu.memory_space<vmem>>, vector<16xi32>,
      %add3A_705 = arith.constant 1968 : i32
      %add3A_706 = arith.addi %add3A_705, %mul3A_664 : i32
      %get3A_707 = arith.index_cast %add3A_706 : i32 to index
      %get3A_708 = tpu.vector_load %arg8[%get3A_707] {strides = array<i32>} : memref<10496xi32, #tpu.memory_space<vmem>>, vector<16xi32>,
      %max3A_709 = arith.maxsi %min3A_700, %get3A_704 : vector<16xi32>
      %min3A_710 = arith.minsi %min3A_699, %get3A_708 : vector<16xi32>
      %min3A_711 = arith.minsi %max3A_709, %min3A_710 : vector<16xi32>
      %min3A_712 = arith.minsi %min3A_700, %get3A_704 : vector<16xi32>
      %add3A_713 = arith.constant 2624 : i32
      %add3A_714 = arith.addi %add3A_713, %mul3A_664 : i32
      %get3A_715 = arith.index_cast %add3A_714 : i32 to index
      %get3A_716 = tpu.vector_load %arg7[%get3A_715] {strides = array<i32>} : memref<10496xi32, #tpu.memory_space<vmem>>, vector<16xi32>,
      %add3A_717 = arith.constant 2624 : i32
      %add3A_718 = arith.addi %add3A_717, %mul3A_664 : i32
      %get3A_719 = arith.index_cast %add3A_718 : i32 to index
      %get3A_720 = tpu.vector_load %arg8[%get3A_719] {strides = array<i32>} : memref<10496xi32, #tpu.memory_space<vmem>>, vector<16xi32>,
      %max3A_721 = arith.maxsi %min3A_712, %get3A_716 : vector<16xi32>
      %min3A_722 = arith.minsi %min3A_711, %get3A_720 : vector<16xi32>
      %min3A_723 = arith.minsi %max3A_721, %min3A_722 : vector<16xi32>
      %min3A_724 = arith.minsi %min3A_712, %get3A_716 : vector<16xi32>
      %add3A_725 = arith.constant 3280 : i32
      %add3A_726 = arith.addi %add3A_725, %mul3A_664 : i32
      %get3A_727 = arith.index_cast %add3A_726 : i32 to index
      %get3A_728 = tpu.vector_load %arg7[%get3A_727] {strides = array<i32>} : memref<10496xi32, #tpu.memory_space<vmem>>, vector<16xi32>,
      %add3A_729 = arith.constant 3280 : i32
      %add3A_730 = arith.addi %add3A_729, %mul3A_664 : i32
      %get3A_731 = arith.index_cast %add3A_730 : i32 to index
      %get3A_732 = tpu.vector_load %arg8[%get3A_731] {strides = array<i32>} : memref<10496xi32, #tpu.memory_space<vmem>>, vector<16xi32>,
      %max3A_733 = arith.maxsi %min3A_724, %get3A_728 : vector<16xi32>
      %min3A_734 = arith.minsi %min3A_723, %get3A_732 : vector<16xi32>
      %min3A_735 = arith.minsi %max3A_733, %min3A_734 : vector<16xi32>
      %min3A_736 = arith.minsi %min3A_724, %get3A_728 : vector<16xi32>
      %add3A_737 = arith.constant 3936 : i32
      %add3A_738 = arith.addi %add3A_737, %mul3A_664 : i32
      %get3A_739 = arith.index_cast %add3A_738 : i32 to index
      %get3A_740 = tpu.vector_load %arg7[%get3A_739] {strides = array<i32>} : memref<10496xi32, #tpu.memory_space<vmem>>, vector<16xi32>,
      %add3A_741 = arith.constant 3936 : i32
      %add3A_742 = arith.addi %add3A_741, %mul3A_664 : i32
      %get3A_743 = arith.index_cast %add3A_742 : i32 to index
      %get3A_744 = tpu.vector_load %arg8[%get3A_743] {strides = array<i32>} : memref<10496xi32, #tpu.memory_space<vmem>>, vector<16xi32>,
      %max3A_745 = arith.maxsi %min3A_736, %get3A_740 : vector<16xi32>
      %min3A_746 = arith.minsi %min3A_735, %get3A_744 : vector<16xi32>
      %min3A_747 = arith.minsi %max3A_745, %min3A_746 : vector<16xi32>
      %min3A_748 = arith.minsi %min3A_736, %get3A_740 : vector<16xi32>
      %add3A_749 = arith.constant 4592 : i32
      %add3A_750 = arith.addi %add3A_749, %mul3A_664 : i32
      %get3A_751 = arith.index_cast %add3A_750 : i32 to index
      %get3A_752 = tpu.vector_load %arg7[%get3A_751] {strides = array<i32>} : memref<10496xi32, #tpu.memory_space<vmem>>, vector<16xi32>,
      %add3A_753 = arith.constant 4592 : i32
      %add3A_754 = arith.addi %add3A_753, %mul3A_664 : i32
      %get3A_755 = arith.index_cast %add3A_754 : i32 to index
      %get3A_756 = tpu.vector_load %arg8[%get3A_755] {strides = array<i32>} : memref<10496xi32, #tpu.memory_space<vmem>>, vector<16xi32>,
      %max3A_757 = arith.maxsi %min3A_748, %get3A_752 : vector<16xi32>
      %min3A_758 = arith.minsi %min3A_747, %get3A_756 : vector<16xi32>
      %min3A_759 = arith.minsi %max3A_757, %min3A_758 : vector<16xi32>
      %min3A_760 = arith.minsi %min3A_748, %get3A_752 : vector<16xi32>
      %add3A_761 = arith.constant 5248 : i32
      %add3A_762 = arith.addi %add3A_761, %mul3A_664 : i32
      %get3A_763 = arith.index_cast %add3A_762 : i32 to index
      %get3A_764 = tpu.vector_load %arg7[%get3A_763] {strides = array<i32>} : memref<10496xi32, #tpu.memory_space<vmem>>, vector<16xi32>,
      %add3A_765 = arith.constant 5248 : i32
      %add3A_766 = arith.addi %add3A_765, %mul3A_664 : i32
      %get3A_767 = arith.index_cast %add3A_766 : i32 to index
      %get3A_768 = tpu.vector_load %arg8[%get3A_767] {strides = array<i32>} : memref<10496xi32, #tpu.memory_space<vmem>>, vector<16xi32>,
      %max3A_769 = arith.maxsi %min3A_760, %get3A_764 : vector<16xi32>
      %min3A_770 = arith.minsi %min3A_759, %get3A_768 : vector<16xi32>
      %min3A_771 = arith.minsi %max3A_769, %min3A_770 : vector<16xi32>
      %min3A_772 = arith.minsi %min3A_760, %get3A_764 : vector<16xi32>
      %add3A_773 = arith.constant 5904 : i32
      %add3A_774 = arith.addi %add3A_773, %mul3A_664 : i32
      %get3A_775 = arith.index_cast %add3A_774 : i32 to index
      %get3A_776 = tpu.vector_load %arg7[%get3A_775] {strides = array<i32>} : memref<10496xi32, #tpu.memory_space<vmem>>, vector<16xi32>,
      %add3A_777 = arith.constant 5904 : i32
      %add3A_778 = arith.addi %add3A_777, %mul3A_664 : i32
      %get3A_779 = arith.index_cast %add3A_778 : i32 to index
      %get3A_780 = tpu.vector_load %arg8[%get3A_779] {strides = array<i32>} : memref<10496xi32, #tpu.memory_space<vmem>>, vector<16xi32>,
      %max3A_781 = arith.maxsi %min3A_772, %get3A_776 : vector<16xi32>
      %min3A_782 = arith.minsi %min3A_771, %get3A_780 : vector<16xi32>
      %min3A_783 = arith.minsi %max3A_781, %min3A_782 : vector<16xi32>
      %min3A_784 = arith.minsi %min3A_772, %get3A_776 : vector<16xi32>
      %add3A_785 = arith.constant 6560 : i32
      %add3A_786 = arith.addi %add3A_785, %mul3A_664 : i32
      %get3A_787 = arith.index_cast %add3A_786 : i32 to index
      %get3A_788 = tpu.vector_load %arg7[%get3A_787] {strides = array<i32>} : memref<10496xi32, #tpu.memory_space<vmem>>, vector<16xi32>,
      %add3A_789 = arith.constant 6560 : i32
      %add3A_790 = arith.addi %add3A_789, %mul3A_664 : i32
      %get3A_791 = arith.index_cast %add3A_790 : i32 to index
      %get3A_792 = tpu.vector_load %arg8[%get3A_791] {strides = array<i32>} : memref<10496xi32, #tpu.memory_space<vmem>>, vector<16xi32>,
      %max3A_793 = arith.maxsi %min3A_784, %get3A_788 : vector<16xi32>
      %min3A_794 = arith.minsi %min3A_783, %get3A_792 : vector<16xi32>
      %min3A_795 = arith.minsi %max3A_793, %min3A_794 : vector<16xi32>
      %min3A_796 = arith.minsi %min3A_784, %get3A_788 : vector<16xi32>
      %add3A_797 = arith.constant 7216 : i32
      %add3A_798 = arith.addi %add3A_797, %mul3A_664 : i32
      %get3A_799 = arith.index_cast %add3A_798 : i32 to index
      %get3A_800 = tpu.vector_load %arg7[%get3A_799] {strides = array<i32>} : memref<10496xi32, #tpu.memory_space<vmem>>, vector<16xi32>,
      %add3A_801 = arith.constant 7216 : i32
      %add3A_802 = arith.addi %add3A_801, %mul3A_664 : i32
      %get3A_803 = arith.index_cast %add3A_802 : i32 to index
      %get3A_804 = tpu.vector_load %arg8[%get3A_803] {strides = array<i32>} : memref<10496xi32, #tpu.memory_space<vmem>>, vector<16xi32>,
      %max3A_805 = arith.maxsi %min3A_796, %get3A_800 : vector<16xi32>
      %min3A_806 = arith.minsi %min3A_795, %get3A_804 : vector<16xi32>
      %min3A_807 = arith.minsi %max3A_805, %min3A_806 : vector<16xi32>
      %min3A_808 = arith.minsi %min3A_796, %get3A_800 : vector<16xi32>
      %add3A_809 = arith.constant 7872 : i32
      %add3A_810 = arith.addi %add3A_809, %mul3A_664 : i32
      %get3A_811 = arith.index_cast %add3A_810 : i32 to index
      %get3A_812 = tpu.vector_load %arg7[%get3A_811] {strides = array<i32>} : memref<10496xi32, #tpu.memory_space<vmem>>, vector<16xi32>,
      %add3A_813 = arith.constant 7872 : i32
      %add3A_814 = arith.addi %add3A_813, %mul3A_664 : i32
      %get3A_815 = arith.index_cast %add3A_814 : i32 to index
      %get3A_816 = tpu.vector_load %arg8[%get3A_815] {strides = array<i32>} : memref<10496xi32, #tpu.memory_space<vmem>>, vector<16xi32>,
      %max3A_817 = arith.maxsi %min3A_808, %get3A_812 : vector<16xi32>
      %min3A_818 = arith.minsi %min3A_807, %get3A_816 : vector<16xi32>
      %min3A_819 = arith.minsi %max3A_817, %min3A_818 : vector<16xi32>
      %min3A_820 = arith.minsi %min3A_808, %get3A_812 : vector<16xi32>
      %add3A_821 = arith.constant 8528 : i32
      %add3A_822 = arith.addi %add3A_821, %mul3A_664 : i32
      %get3A_823 = arith.index_cast %add3A_822 : i32 to index
      %get3A_824 = tpu.vector_load %arg7[%get3A_823] {strides = array<i32>} : memref<10496xi32, #tpu.memory_space<vmem>>, vector<16xi32>,
      %add3A_825 = arith.constant 8528 : i32
      %add3A_826 = arith.addi %add3A_825, %mul3A_664 : i32
      %get3A_827 = arith.index_cast %add3A_826 : i32 to index
      %get3A_828 = tpu.vector_load %arg8[%get3A_827] {strides = array<i32>} : memref<10496xi32, #tpu.memory_space<vmem>>, vector<16xi32>,
      %max3A_829 = arith.maxsi %min3A_820, %get3A_824 : vector<16xi32>
      %min3A_830 = arith.minsi %min3A_819, %get3A_828 : vector<16xi32>
      %min3A_831 = arith.minsi %max3A_829, %min3A_830 : vector<16xi32>
      %min3A_832 = arith.minsi %min3A_820, %get3A_824 : vector<16xi32>
      %add3A_833 = arith.constant 9184 : i32
      %add3A_834 = arith.addi %add3A_833, %mul3A_664 : i32
      %get3A_835 = arith.index_cast %add3A_834 : i32 to index
      %get3A_836 = tpu.vector_load %arg7[%get3A_835] {strides = array<i32>} : memref<10496xi32, #tpu.memory_space<vmem>>, vector<16xi32>,
      %add3A_837 = arith.constant 9184 : i32
      %add3A_838 = arith.addi %add3A_837, %mul3A_664 : i32
      %get3A_839 = arith.index_cast %add3A_838 : i32 to index
      %get3A_840 = tpu.vector_load %arg8[%get3A_839] {strides = array<i32>} : memref<10496xi32, #tpu.memory_space<vmem>>, vector<16xi32>,
      %max3A_841 = arith.maxsi %min3A_832, %get3A_836 : vector<16xi32>
      %min3A_842 = arith.minsi %min3A_831, %get3A_840 : vector<16xi32>
      %min3A_843 = arith.minsi %max3A_841, %min3A_842 : vector<16xi32>
      %min3A_844 = arith.minsi %min3A_832, %get3A_836 : vector<16xi32>
      %add3A_845 = arith.constant 9840 : i32
      %add3A_846 = arith.addi %add3A_845, %mul3A_664 : i32
      %get3A_847 = arith.index_cast %add3A_846 : i32 to index
      %get3A_848 = tpu.vector_load %arg7[%get3A_847] {strides = array<i32>} : memref<10496xi32, #tpu.memory_space<vmem>>, vector<16xi32>,
      %add3A_849 = arith.constant 9840 : i32
      %add3A_850 = arith.addi %add3A_849, %mul3A_664 : i32
      %get3A_851 = arith.index_cast %add3A_850 : i32 to index
      %get3A_852 = tpu.vector_load %arg8[%get3A_851] {strides = array<i32>} : memref<10496xi32, #tpu.memory_space<vmem>>, vector<16xi32>,
      %max3A_853 = arith.maxsi %min3A_844, %get3A_848 : vector<16xi32>
      %min3A_854 = arith.minsi %min3A_843, %get3A_852 : vector<16xi32>
      %min3A_855 = arith.minsi %max3A_853, %min3A_854 : vector<16xi32>
      %min3A_856 = arith.minsi %min3A_844, %get3A_848 : vector<16xi32>
      %swap3A_857 = arith.index_cast %mul3A_664 : i32 to index
      %swap3A_858 = tpu.vector_load %arg9[%swap3A_857] {strides = array<i32>} : memref<656xi32, #tpu.memory_space<vmem>>, vector<16xi32>,
      tpu.vector_store %arg9[%swap3A_857], %min3A_856 {strides = array<i32>} : memref<656xi32, #tpu.memory_space<vmem>>, vector<16xi32>,
      %swap3A_859 = arith.index_cast %mul3A_664 : i32 to index
      %swap3A_860 = tpu.vector_load %arg10[%swap3A_859] {strides = array<i32>} : memref<656xi32, #tpu.memory_space<vmem>>, vector<16xi32>,
      tpu.vector_store %arg10[%swap3A_859], %min3A_855 {strides = array<i32>} : memref<656xi32, #tpu.memory_space<vmem>>, vector<16xi32>,
    }
    %scan3A_21 = arith.constant 41 : i32
    %mul3A_22 = arith.constant 656 : i32
    %mul3A_23 = arith.muli %arg1, %mul3A_22 : i32
    "tpu.region"() ({
      %run_scoped3A = tpu.sem_alloc : memref<!tpu.dma_semaphore, #tpu.memory_space<semaphore_mem>>
      %dma_start3A_662 = tpu.memref_slice %arg15[%mul3A_23] : memref<20992xi32, #tpu.memory_space<vmem_shared>> -> memref<656xi32, #tpu.memory_space<vmem_shared>>
      %dma_start3A_663 = tpu.memref_slice %arg15[%mul3A_23] : memref<20992xi32, #tpu.memory_space<vmem_shared>> -> memref<656xi32, #tpu.memory_space<vmem_shared>>
      tpu.enqueue_dma source(%arg9 : memref<656xi32, #tpu.memory_space<vmem>>) target(%dma_start3A_663 : memref<656xi32, #tpu.memory_space<vmem_shared>>) target_semaphore(%run_scoped3A : memref<!tpu.dma_semaphore, #tpu.memory_space<semaphore_mem>>)
      %dma_wait3A_664 = tpu.memref_slice %arg15[%mul3A_23] : memref<20992xi32, #tpu.memory_space<vmem_shared>> -> memref<656xi32, #tpu.memory_space<vmem_shared>>
      %dma_wait3A_665 = tpu.memref_slice %arg15[%mul3A_23] : memref<20992xi32, #tpu.memory_space<vmem_shared>> -> memref<656xi32, #tpu.memory_space<vmem_shared>>
      tpu.wait_dma2 semaphore(%run_scoped3A : memref<!tpu.dma_semaphore, #tpu.memory_space<semaphore_mem>>) src(%arg9 : memref<656xi32, #tpu.memory_space<vmem>>) dst(%dma_wait3A_665 : memref<656xi32, #tpu.memory_space<vmem_shared>>)
      tpu.yield
    }) : () -> ()
    %add3A = arith.constant 16 : i32
    %add3A_24 = arith.addi %add3A, %arg1 : i32
    %mul3A_25 = arith.constant 656 : i32
    %mul3A_26 = arith.muli %add3A_24, %mul3A_25 : i32
    "tpu.region"() ({
      %run_scoped3A = tpu.sem_alloc : memref<!tpu.dma_semaphore, #tpu.memory_space<semaphore_mem>>
      %dma_start3A_662 = tpu.memref_slice %arg15[%mul3A_26] : memref<20992xi32, #tpu.memory_space<vmem_shared>> -> memref<656xi32, #tpu.memory_space<vmem_shared>>
      %dma_start3A_663 = tpu.memref_slice %arg15[%mul3A_26] : memref<20992xi32, #tpu.memory_space<vmem_shared>> -> memref<656xi32, #tpu.memory_space<vmem_shared>>
      tpu.enqueue_dma source(%arg10 : memref<656xi32, #tpu.memory_space<vmem>>) target(%dma_start3A_663 : memref<656xi32, #tpu.memory_space<vmem_shared>>) target_semaphore(%run_scoped3A : memref<!tpu.dma_semaphore, #tpu.memory_space<semaphore_mem>>)
      %dma_wait3A_664 = tpu.memref_slice %arg15[%mul3A_26] : memref<20992xi32, #tpu.memory_space<vmem_shared>> -> memref<656xi32, #tpu.memory_space<vmem_shared>>
      %dma_wait3A_665 = tpu.memref_slice %arg15[%mul3A_26] : memref<20992xi32, #tpu.memory_space<vmem_shared>> -> memref<656xi32, #tpu.memory_space<vmem_shared>>
      tpu.wait_dma2 semaphore(%run_scoped3A : memref<!tpu.dma_semaphore, #tpu.memory_space<semaphore_mem>>) src(%arg10 : memref<656xi32, #tpu.memory_space<vmem>>) dst(%dma_wait3A_665 : memref<656xi32, #tpu.memory_space<vmem_shared>>)
      tpu.yield
    }) : () -> ()
    %barrier3A = arith.constant 0 : index
    tpu.barrier barrier_id(%barrier3A)
    "tpu.region"() ({
      %run_scoped3A = tpu.sem_alloc : memref<!tpu.dma_semaphore, #tpu.memory_space<semaphore_mem>>
      tpu.enqueue_dma source(%arg15 : memref<20992xi32, #tpu.memory_space<vmem_shared>>) target(%arg11 : memref<20992xi32, #tpu.memory_space<vmem>>) target_semaphore(%run_scoped3A : memref<!tpu.dma_semaphore, #tpu.memory_space<semaphore_mem>>)
      tpu.wait_dma2 semaphore(%run_scoped3A : memref<!tpu.dma_semaphore, #tpu.memory_space<semaphore_mem>>) src(%arg15 : memref<20992xi32, #tpu.memory_space<vmem_shared>>) dst(%arg11 : memref<20992xi32, #tpu.memory_space<vmem>>)
      tpu.yield
    }) : () -> ()
    %mul3A_27 = arith.constant 40 : i32
    %mul3A_28 = arith.muli %arg1, %mul3A_27 : i32
    %add3A_29 = arith.constant 0 : i32
    %add3A_30 = arith.addi %mul3A_28, %add3A_29 : i32
    %add3A_31 = arith.constant 0 : i32
    %add3A_32 = arith.addi %add3A_31, %add3A_30 : i32
    %get3A = arith.index_cast %add3A_32 : i32 to index
    %get3A_33 = tpu.vector_load %arg11[%get3A] {strides = array<i32>} : memref<20992xi32, #tpu.memory_space<vmem>>, vector<16xi32>,
    %add3A_34 = arith.constant 10496 : i32
    %add3A_35 = arith.addi %add3A_34, %add3A_30 : i32
    %get3A_36 = arith.index_cast %add3A_35 : i32 to index
    %get3A_37 = tpu.vector_load %arg11[%get3A_36] {strides = array<i32>} : memref<20992xi32, #tpu.memory_space<vmem>>, vector<16xi32>,
    %max3A = arith.maxsi %broadcast_in_dim3A_0, %get3A_33 : vector<16xi32>
    %min3A = arith.minsi %broadcast_in_dim3A_0, %get3A_37 : vector<16xi32>
    %min3A_38 = arith.minsi %max3A, %min3A : vector<16xi32>
    %min3A_39 = arith.minsi %broadcast_in_dim3A_0, %get3A_33 : vector<16xi32>
    %add3A_40 = arith.constant 656 : i32
    %add3A_41 = arith.addi %add3A_40, %add3A_30 : i32
    %get3A_42 = arith.index_cast %add3A_41 : i32 to index
    %get3A_43 = tpu.vector_load %arg11[%get3A_42] {strides = array<i32>} : memref<20992xi32, #tpu.memory_space<vmem>>, vector<16xi32>,
    %add3A_44 = arith.constant 11152 : i32
    %add3A_45 = arith.addi %add3A_44, %add3A_30 : i32
    %get3A_46 = arith.index_cast %add3A_45 : i32 to index
    %get3A_47 = tpu.vector_load %arg11[%get3A_46] {strides = array<i32>} : memref<20992xi32, #tpu.memory_space<vmem>>, vector<16xi32>,
    %max3A_48 = arith.maxsi %min3A_39, %get3A_43 : vector<16xi32>
    %min3A_49 = arith.minsi %min3A_38, %get3A_47 : vector<16xi32>
    %min3A_50 = arith.minsi %max3A_48, %min3A_49 : vector<16xi32>
    %min3A_51 = arith.minsi %min3A_39, %get3A_43 : vector<16xi32>
    %add3A_52 = arith.constant 1312 : i32
    %add3A_53 = arith.addi %add3A_52, %add3A_30 : i32
    %get3A_54 = arith.index_cast %add3A_53 : i32 to index
    %get3A_55 = tpu.vector_load %arg11[%get3A_54] {strides = array<i32>} : memref<20992xi32, #tpu.memory_space<vmem>>, vector<16xi32>,
    %add3A_56 = arith.constant 11808 : i32
    %add3A_57 = arith.addi %add3A_56, %add3A_30 : i32
    %get3A_58 = arith.index_cast %add3A_57 : i32 to index
    %get3A_59 = tpu.vector_load %arg11[%get3A_58] {strides = array<i32>} : memref<20992xi32, #tpu.memory_space<vmem>>, vector<16xi32>,
    %max3A_60 = arith.maxsi %min3A_51, %get3A_55 : vector<16xi32>
    %min3A_61 = arith.minsi %min3A_50, %get3A_59 : vector<16xi32>
    %min3A_62 = arith.minsi %max3A_60, %min3A_61 : vector<16xi32>
    %min3A_63 = arith.minsi %min3A_51, %get3A_55 : vector<16xi32>
    %add3A_64 = arith.constant 1968 : i32
    %add3A_65 = arith.addi %add3A_64, %add3A_30 : i32
    %get3A_66 = arith.index_cast %add3A_65 : i32 to index
    %get3A_67 = tpu.vector_load %arg11[%get3A_66] {strides = array<i32>} : memref<20992xi32, #tpu.memory_space<vmem>>, vector<16xi32>,
    %add3A_68 = arith.constant 12464 : i32
    %add3A_69 = arith.addi %add3A_68, %add3A_30 : i32
    %get3A_70 = arith.index_cast %add3A_69 : i32 to index
    %get3A_71 = tpu.vector_load %arg11[%get3A_70] {strides = array<i32>} : memref<20992xi32, #tpu.memory_space<vmem>>, vector<16xi32>,
    %max3A_72 = arith.maxsi %min3A_63, %get3A_67 : vector<16xi32>
    %min3A_73 = arith.minsi %min3A_62, %get3A_71 : vector<16xi32>
    %min3A_74 = arith.minsi %max3A_72, %min3A_73 : vector<16xi32>
    %min3A_75 = arith.minsi %min3A_63, %get3A_67 : vector<16xi32>
    %add3A_76 = arith.constant 2624 : i32
    %add3A_77 = arith.addi %add3A_76, %add3A_30 : i32
    %get3A_78 = arith.index_cast %add3A_77 : i32 to index
    %get3A_79 = tpu.vector_load %arg11[%get3A_78] {strides = array<i32>} : memref<20992xi32, #tpu.memory_space<vmem>>, vector<16xi32>,
    %add3A_80 = arith.constant 13120 : i32
    %add3A_81 = arith.addi %add3A_80, %add3A_30 : i32
    %get3A_82 = arith.index_cast %add3A_81 : i32 to index
    %get3A_83 = tpu.vector_load %arg11[%get3A_82] {strides = array<i32>} : memref<20992xi32, #tpu.memory_space<vmem>>, vector<16xi32>,
    %max3A_84 = arith.maxsi %min3A_75, %get3A_79 : vector<16xi32>
    %min3A_85 = arith.minsi %min3A_74, %get3A_83 : vector<16xi32>
    %min3A_86 = arith.minsi %max3A_84, %min3A_85 : vector<16xi32>
    %min3A_87 = arith.minsi %min3A_75, %get3A_79 : vector<16xi32>
    %add3A_88 = arith.constant 3280 : i32
    %add3A_89 = arith.addi %add3A_88, %add3A_30 : i32
    %get3A_90 = arith.index_cast %add3A_89 : i32 to index
    %get3A_91 = tpu.vector_load %arg11[%get3A_90] {strides = array<i32>} : memref<20992xi32, #tpu.memory_space<vmem>>, vector<16xi32>,
    %add3A_92 = arith.constant 13776 : i32
    %add3A_93 = arith.addi %add3A_92, %add3A_30 : i32
    %get3A_94 = arith.index_cast %add3A_93 : i32 to index
    %get3A_95 = tpu.vector_load %arg11[%get3A_94] {strides = array<i32>} : memref<20992xi32, #tpu.memory_space<vmem>>, vector<16xi32>,
    %max3A_96 = arith.maxsi %min3A_87, %get3A_91 : vector<16xi32>
    %min3A_97 = arith.minsi %min3A_86, %get3A_95 : vector<16xi32>
    %min3A_98 = arith.minsi %max3A_96, %min3A_97 : vector<16xi32>
    %min3A_99 = arith.minsi %min3A_87, %get3A_91 : vector<16xi32>
    %add3A_100 = arith.constant 3936 : i32
    %add3A_101 = arith.addi %add3A_100, %add3A_30 : i32
    %get3A_102 = arith.index_cast %add3A_101 : i32 to index
    %get3A_103 = tpu.vector_load %arg11[%get3A_102] {strides = array<i32>} : memref<20992xi32, #tpu.memory_space<vmem>>, vector<16xi32>,
    %add3A_104 = arith.constant 14432 : i32
    %add3A_105 = arith.addi %add3A_104, %add3A_30 : i32
    %get3A_106 = arith.index_cast %add3A_105 : i32 to index
    %get3A_107 = tpu.vector_load %arg11[%get3A_106] {strides = array<i32>} : memref<20992xi32, #tpu.memory_space<vmem>>, vector<16xi32>,
    %max3A_108 = arith.maxsi %min3A_99, %get3A_103 : vector<16xi32>
    %min3A_109 = arith.minsi %min3A_98, %get3A_107 : vector<16xi32>
    %min3A_110 = arith.minsi %max3A_108, %min3A_109 : vector<16xi32>
    %min3A_111 = arith.minsi %min3A_99, %get3A_103 : vector<16xi32>
    %add3A_112 = arith.constant 4592 : i32
    %add3A_113 = arith.addi %add3A_112, %add3A_30 : i32
    %get3A_114 = arith.index_cast %add3A_113 : i32 to index
    %get3A_115 = tpu.vector_load %arg11[%get3A_114] {strides = array<i32>} : memref<20992xi32, #tpu.memory_space<vmem>>, vector<16xi32>,
    %add3A_116 = arith.constant 15088 : i32
    %add3A_117 = arith.addi %add3A_116, %add3A_30 : i32
    %get3A_118 = arith.index_cast %add3A_117 : i32 to index
    %get3A_119 = tpu.vector_load %arg11[%get3A_118] {strides = array<i32>} : memref<20992xi32, #tpu.memory_space<vmem>>, vector<16xi32>,
    %max3A_120 = arith.maxsi %min3A_111, %get3A_115 : vector<16xi32>
    %min3A_121 = arith.minsi %min3A_110, %get3A_119 : vector<16xi32>
    %min3A_122 = arith.minsi %max3A_120, %min3A_121 : vector<16xi32>
    %min3A_123 = arith.minsi %min3A_111, %get3A_115 : vector<16xi32>
    %add3A_124 = arith.constant 5248 : i32
    %add3A_125 = arith.addi %add3A_124, %add3A_30 : i32
    %get3A_126 = arith.index_cast %add3A_125 : i32 to index
    %get3A_127 = tpu.vector_load %arg11[%get3A_126] {strides = array<i32>} : memref<20992xi32, #tpu.memory_space<vmem>>, vector<16xi32>,
    %add3A_128 = arith.constant 15744 : i32
    %add3A_129 = arith.addi %add3A_128, %add3A_30 : i32
    %get3A_130 = arith.index_cast %add3A_129 : i32 to index
    %get3A_131 = tpu.vector_load %arg11[%get3A_130] {strides = array<i32>} : memref<20992xi32, #tpu.memory_space<vmem>>, vector<16xi32>,
    %max3A_132 = arith.maxsi %min3A_123, %get3A_127 : vector<16xi32>
    %min3A_133 = arith.minsi %min3A_122, %get3A_131 : vector<16xi32>
    %min3A_134 = arith.minsi %max3A_132, %min3A_133 : vector<16xi32>
    %min3A_135 = arith.minsi %min3A_123, %get3A_127 : vector<16xi32>
    %add3A_136 = arith.constant 5904 : i32
    %add3A_137 = arith.addi %add3A_136, %add3A_30 : i32
    %get3A_138 = arith.index_cast %add3A_137 : i32 to index
    %get3A_139 = tpu.vector_load %arg11[%get3A_138] {strides = array<i32>} : memref<20992xi32, #tpu.memory_space<vmem>>, vector<16xi32>,
    %add3A_140 = arith.constant 16400 : i32
    %add3A_141 = arith.addi %add3A_140, %add3A_30 : i32
    %get3A_142 = arith.index_cast %add3A_141 : i32 to index
    %get3A_143 = tpu.vector_load %arg11[%get3A_142] {strides = array<i32>} : memref<20992xi32, #tpu.memory_space<vmem>>, vector<16xi32>,
    %max3A_144 = arith.maxsi %min3A_135, %get3A_139 : vector<16xi32>
    %min3A_145 = arith.minsi %min3A_134, %get3A_143 : vector<16xi32>
    %min3A_146 = arith.minsi %max3A_144, %min3A_145 : vector<16xi32>
    %min3A_147 = arith.minsi %min3A_135, %get3A_139 : vector<16xi32>
    %add3A_148 = arith.constant 6560 : i32
    %add3A_149 = arith.addi %add3A_148, %add3A_30 : i32
    %get3A_150 = arith.index_cast %add3A_149 : i32 to index
    %get3A_151 = tpu.vector_load %arg11[%get3A_150] {strides = array<i32>} : memref<20992xi32, #tpu.memory_space<vmem>>, vector<16xi32>,
    %add3A_152 = arith.constant 17056 : i32
    %add3A_153 = arith.addi %add3A_152, %add3A_30 : i32
    %get3A_154 = arith.index_cast %add3A_153 : i32 to index
    %get3A_155 = tpu.vector_load %arg11[%get3A_154] {strides = array<i32>} : memref<20992xi32, #tpu.memory_space<vmem>>, vector<16xi32>,
    %max3A_156 = arith.maxsi %min3A_147, %get3A_151 : vector<16xi32>
    %min3A_157 = arith.minsi %min3A_146, %get3A_155 : vector<16xi32>
    %min3A_158 = arith.minsi %max3A_156, %min3A_157 : vector<16xi32>
    %min3A_159 = arith.minsi %min3A_147, %get3A_151 : vector<16xi32>
    %add3A_160 = arith.constant 7216 : i32
    %add3A_161 = arith.addi %add3A_160, %add3A_30 : i32
    %get3A_162 = arith.index_cast %add3A_161 : i32 to index
    %get3A_163 = tpu.vector_load %arg11[%get3A_162] {strides = array<i32>} : memref<20992xi32, #tpu.memory_space<vmem>>, vector<16xi32>,
    %add3A_164 = arith.constant 17712 : i32
    %add3A_165 = arith.addi %add3A_164, %add3A_30 : i32
    %get3A_166 = arith.index_cast %add3A_165 : i32 to index
    %get3A_167 = tpu.vector_load %arg11[%get3A_166] {strides = array<i32>} : memref<20992xi32, #tpu.memory_space<vmem>>, vector<16xi32>,
    %max3A_168 = arith.maxsi %min3A_159, %get3A_163 : vector<16xi32>
    %min3A_169 = arith.minsi %min3A_158, %get3A_167 : vector<16xi32>
    %min3A_170 = arith.minsi %max3A_168, %min3A_169 : vector<16xi32>
    %min3A_171 = arith.minsi %min3A_159, %get3A_163 : vector<16xi32>
    %add3A_172 = arith.constant 7872 : i32
    %add3A_173 = arith.addi %add3A_172, %add3A_30 : i32
    %get3A_174 = arith.index_cast %add3A_173 : i32 to index
    %get3A_175 = tpu.vector_load %arg11[%get3A_174] {strides = array<i32>} : memref<20992xi32, #tpu.memory_space<vmem>>, vector<16xi32>,
    %add3A_176 = arith.constant 18368 : i32
    %add3A_177 = arith.addi %add3A_176, %add3A_30 : i32
    %get3A_178 = arith.index_cast %add3A_177 : i32 to index
    %get3A_179 = tpu.vector_load %arg11[%get3A_178] {strides = array<i32>} : memref<20992xi32, #tpu.memory_space<vmem>>, vector<16xi32>,
    %max3A_180 = arith.maxsi %min3A_171, %get3A_175 : vector<16xi32>
    %min3A_181 = arith.minsi %min3A_170, %get3A_179 : vector<16xi32>
    %min3A_182 = arith.minsi %max3A_180, %min3A_181 : vector<16xi32>
    %min3A_183 = arith.minsi %min3A_171, %get3A_175 : vector<16xi32>
    %add3A_184 = arith.constant 8528 : i32
    %add3A_185 = arith.addi %add3A_184, %add3A_30 : i32
    %get3A_186 = arith.index_cast %add3A_185 : i32 to index
    %get3A_187 = tpu.vector_load %arg11[%get3A_186] {strides = array<i32>} : memref<20992xi32, #tpu.memory_space<vmem>>, vector<16xi32>,
    %add3A_188 = arith.constant 19024 : i32
    %add3A_189 = arith.addi %add3A_188, %add3A_30 : i32
    %get3A_190 = arith.index_cast %add3A_189 : i32 to index
    %get3A_191 = tpu.vector_load %arg11[%get3A_190] {strides = array<i32>} : memref<20992xi32, #tpu.memory_space<vmem>>, vector<16xi32>,
    %max3A_192 = arith.maxsi %min3A_183, %get3A_187 : vector<16xi32>
    %min3A_193 = arith.minsi %min3A_182, %get3A_191 : vector<16xi32>
    %min3A_194 = arith.minsi %max3A_192, %min3A_193 : vector<16xi32>
    %min3A_195 = arith.minsi %min3A_183, %get3A_187 : vector<16xi32>
    %add3A_196 = arith.constant 9184 : i32
    %add3A_197 = arith.addi %add3A_196, %add3A_30 : i32
    %get3A_198 = arith.index_cast %add3A_197 : i32 to index
    %get3A_199 = tpu.vector_load %arg11[%get3A_198] {strides = array<i32>} : memref<20992xi32, #tpu.memory_space<vmem>>, vector<16xi32>,
    %add3A_200 = arith.constant 19680 : i32
    %add3A_201 = arith.addi %add3A_200, %add3A_30 : i32
    %get3A_202 = arith.index_cast %add3A_201 : i32 to index
    %get3A_203 = tpu.vector_load %arg11[%get3A_202] {strides = array<i32>} : memref<20992xi32, #tpu.memory_space<vmem>>, vector<16xi32>,
    %max3A_204 = arith.maxsi %min3A_195, %get3A_199 : vector<16xi32>
    %min3A_205 = arith.minsi %min3A_194, %get3A_203 : vector<16xi32>
    %min3A_206 = arith.minsi %max3A_204, %min3A_205 : vector<16xi32>
    %min3A_207 = arith.minsi %min3A_195, %get3A_199 : vector<16xi32>
    %add3A_208 = arith.constant 9840 : i32
    %add3A_209 = arith.addi %add3A_208, %add3A_30 : i32
    %get3A_210 = arith.index_cast %add3A_209 : i32 to index
    %get3A_211 = tpu.vector_load %arg11[%get3A_210] {strides = array<i32>} : memref<20992xi32, #tpu.memory_space<vmem>>, vector<16xi32>,
    %add3A_212 = arith.constant 20336 : i32
    %add3A_213 = arith.addi %add3A_212, %add3A_30 : i32
    %get3A_214 = arith.index_cast %add3A_213 : i32 to index
    %get3A_215 = tpu.vector_load %arg11[%get3A_214] {strides = array<i32>} : memref<20992xi32, #tpu.memory_space<vmem>>, vector<16xi32>,
    %max3A_216 = arith.maxsi %min3A_207, %get3A_211 : vector<16xi32>
    %min3A_217 = arith.minsi %min3A_206, %get3A_215 : vector<16xi32>
    %min3A_218 = arith.minsi %max3A_216, %min3A_217 : vector<16xi32>
    %min3A_219 = arith.minsi %min3A_207, %get3A_211 : vector<16xi32>
    %eq3A = arith.constant 0 : i32
    %eq3A_220 = arith.cmpi eq, %arg0, %eq3A : i32
    %select_n3A = arith.select %eq3A_220, %min3A_219, %min3A_218 : vector<16xi32>
    %min3A_221 = arith.constant 16383 : i32
    %min3A_222 = vector.broadcast %min3A_221 : i32 to vector<16xi32>
    %min3A_223 = arith.minsi %select_n3A, %min3A_222 : vector<16xi32>
    %swap3A = arith.constant 0 : index
    %swap3A_224 = tpu.vector_load %arg12[%swap3A] {strides = array<i32>} : memref<48xi32, #tpu.memory_space<vmem>>, vector<16xi32>,
    tpu.vector_store %arg12[%swap3A], %min3A_223 {strides = array<i32>} : memref<48xi32, #tpu.memory_space<vmem>>, vector<16xi32>,
    %lt3A = arith.constant 1073741824 : i32
    %lt3A_225 = vector.broadcast %lt3A : i32 to vector<16xi32>
    %lt3A_226 = arith.cmpi slt, %min3A_218, %lt3A_225 : vector<16xi32>
    %convert_element_type3A = arith.extui %lt3A_226 : vector<16xi1> to vector<16xi32>
    %swap3A_227 = arith.constant 0 : index
    %swap3A_228 = tpu.vector_load %arg13[%swap3A_227] {strides = array<i32>} : memref<48xi32, #tpu.memory_space<vmem>>, vector<16xi32>,
    tpu.vector_store %arg13[%swap3A_227], %convert_element_type3A {strides = array<i32>} : memref<48xi32, #tpu.memory_space<vmem>>, vector<16xi32>,
    %add3A_229 = arith.constant 16 : i32
    %add3A_230 = arith.addi %mul3A_28, %add3A_229 : i32
    %add3A_231 = arith.constant 0 : i32
    %add3A_232 = arith.addi %add3A_231, %add3A_230 : i32
    %get3A_233 = arith.index_cast %add3A_232 : i32 to index
    %get3A_234 = tpu.vector_load %arg11[%get3A_233] {strides = array<i32>} : memref<20992xi32, #tpu.memory_space<vmem>>, vector<16xi32>,
    %add3A_235 = arith.constant 10496 : i32
    %add3A_236 = arith.addi %add3A_235, %add3A_230 : i32
    %get3A_237 = arith.index_cast %add3A_236 : i32 to index
    %get3A_238 = tpu.vector_load %arg11[%get3A_237] {strides = array<i32>} : memref<20992xi32, #tpu.memory_space<vmem>>, vector<16xi32>,
    %max3A_239 = arith.maxsi %broadcast_in_dim3A_0, %get3A_234 : vector<16xi32>
    %min3A_240 = arith.minsi %broadcast_in_dim3A_0, %get3A_238 : vector<16xi32>
    %min3A_241 = arith.minsi %max3A_239, %min3A_240 : vector<16xi32>
    %min3A_242 = arith.minsi %broadcast_in_dim3A_0, %get3A_234 : vector<16xi32>
    %add3A_243 = arith.constant 656 : i32
    %add3A_244 = arith.addi %add3A_243, %add3A_230 : i32
    %get3A_245 = arith.index_cast %add3A_244 : i32 to index
    %get3A_246 = tpu.vector_load %arg11[%get3A_245] {strides = array<i32>} : memref<20992xi32, #tpu.memory_space<vmem>>, vector<16xi32>,
    %add3A_247 = arith.constant 11152 : i32
    %add3A_248 = arith.addi %add3A_247, %add3A_230 : i32
    %get3A_249 = arith.index_cast %add3A_248 : i32 to index
    %get3A_250 = tpu.vector_load %arg11[%get3A_249] {strides = array<i32>} : memref<20992xi32, #tpu.memory_space<vmem>>, vector<16xi32>,
    %max3A_251 = arith.maxsi %min3A_242, %get3A_246 : vector<16xi32>
    %min3A_252 = arith.minsi %min3A_241, %get3A_250 : vector<16xi32>
    %min3A_253 = arith.minsi %max3A_251, %min3A_252 : vector<16xi32>
    %min3A_254 = arith.minsi %min3A_242, %get3A_246 : vector<16xi32>
    %add3A_255 = arith.constant 1312 : i32
    %add3A_256 = arith.addi %add3A_255, %add3A_230 : i32
    %get3A_257 = arith.index_cast %add3A_256 : i32 to index
    %get3A_258 = tpu.vector_load %arg11[%get3A_257] {strides = array<i32>} : memref<20992xi32, #tpu.memory_space<vmem>>, vector<16xi32>,
    %add3A_259 = arith.constant 11808 : i32
    %add3A_260 = arith.addi %add3A_259, %add3A_230 : i32
    %get3A_261 = arith.index_cast %add3A_260 : i32 to index
    %get3A_262 = tpu.vector_load %arg11[%get3A_261] {strides = array<i32>} : memref<20992xi32, #tpu.memory_space<vmem>>, vector<16xi32>,
    %max3A_263 = arith.maxsi %min3A_254, %get3A_258 : vector<16xi32>
    %min3A_264 = arith.minsi %min3A_253, %get3A_262 : vector<16xi32>
    %min3A_265 = arith.minsi %max3A_263, %min3A_264 : vector<16xi32>
    %min3A_266 = arith.minsi %min3A_254, %get3A_258 : vector<16xi32>
    %add3A_267 = arith.constant 1968 : i32
    %add3A_268 = arith.addi %add3A_267, %add3A_230 : i32
    %get3A_269 = arith.index_cast %add3A_268 : i32 to index
    %get3A_270 = tpu.vector_load %arg11[%get3A_269] {strides = array<i32>} : memref<20992xi32, #tpu.memory_space<vmem>>, vector<16xi32>,
    %add3A_271 = arith.constant 12464 : i32
    %add3A_272 = arith.addi %add3A_271, %add3A_230 : i32
    %get3A_273 = arith.index_cast %add3A_272 : i32 to index
    %get3A_274 = tpu.vector_load %arg11[%get3A_273] {strides = array<i32>} : memref<20992xi32, #tpu.memory_space<vmem>>, vector<16xi32>,
    %max3A_275 = arith.maxsi %min3A_266, %get3A_270 : vector<16xi32>
    %min3A_276 = arith.minsi %min3A_265, %get3A_274 : vector<16xi32>
    %min3A_277 = arith.minsi %max3A_275, %min3A_276 : vector<16xi32>
    %min3A_278 = arith.minsi %min3A_266, %get3A_270 : vector<16xi32>
    %add3A_279 = arith.constant 2624 : i32
    %add3A_280 = arith.addi %add3A_279, %add3A_230 : i32
    %get3A_281 = arith.index_cast %add3A_280 : i32 to index
    %get3A_282 = tpu.vector_load %arg11[%get3A_281] {strides = array<i32>} : memref<20992xi32, #tpu.memory_space<vmem>>, vector<16xi32>,
    %add3A_283 = arith.constant 13120 : i32
    %add3A_284 = arith.addi %add3A_283, %add3A_230 : i32
    %get3A_285 = arith.index_cast %add3A_284 : i32 to index
    %get3A_286 = tpu.vector_load %arg11[%get3A_285] {strides = array<i32>} : memref<20992xi32, #tpu.memory_space<vmem>>, vector<16xi32>,
    %max3A_287 = arith.maxsi %min3A_278, %get3A_282 : vector<16xi32>
    %min3A_288 = arith.minsi %min3A_277, %get3A_286 : vector<16xi32>
    %min3A_289 = arith.minsi %max3A_287, %min3A_288 : vector<16xi32>
    %min3A_290 = arith.minsi %min3A_278, %get3A_282 : vector<16xi32>
    %add3A_291 = arith.constant 3280 : i32
    %add3A_292 = arith.addi %add3A_291, %add3A_230 : i32
    %get3A_293 = arith.index_cast %add3A_292 : i32 to index
    %get3A_294 = tpu.vector_load %arg11[%get3A_293] {strides = array<i32>} : memref<20992xi32, #tpu.memory_space<vmem>>, vector<16xi32>,
    %add3A_295 = arith.constant 13776 : i32
    %add3A_296 = arith.addi %add3A_295, %add3A_230 : i32
    %get3A_297 = arith.index_cast %add3A_296 : i32 to index
    %get3A_298 = tpu.vector_load %arg11[%get3A_297] {strides = array<i32>} : memref<20992xi32, #tpu.memory_space<vmem>>, vector<16xi32>,
    %max3A_299 = arith.maxsi %min3A_290, %get3A_294 : vector<16xi32>
    %min3A_300 = arith.minsi %min3A_289, %get3A_298 : vector<16xi32>
    %min3A_301 = arith.minsi %max3A_299, %min3A_300 : vector<16xi32>
    %min3A_302 = arith.minsi %min3A_290, %get3A_294 : vector<16xi32>
    %add3A_303 = arith.constant 3936 : i32
    %add3A_304 = arith.addi %add3A_303, %add3A_230 : i32
    %get3A_305 = arith.index_cast %add3A_304 : i32 to index
    %get3A_306 = tpu.vector_load %arg11[%get3A_305] {strides = array<i32>} : memref<20992xi32, #tpu.memory_space<vmem>>, vector<16xi32>,
    %add3A_307 = arith.constant 14432 : i32
    %add3A_308 = arith.addi %add3A_307, %add3A_230 : i32
    %get3A_309 = arith.index_cast %add3A_308 : i32 to index
    %get3A_310 = tpu.vector_load %arg11[%get3A_309] {strides = array<i32>} : memref<20992xi32, #tpu.memory_space<vmem>>, vector<16xi32>,
    %max3A_311 = arith.maxsi %min3A_302, %get3A_306 : vector<16xi32>
    %min3A_312 = arith.minsi %min3A_301, %get3A_310 : vector<16xi32>
    %min3A_313 = arith.minsi %max3A_311, %min3A_312 : vector<16xi32>
    %min3A_314 = arith.minsi %min3A_302, %get3A_306 : vector<16xi32>
    %add3A_315 = arith.constant 4592 : i32
    %add3A_316 = arith.addi %add3A_315, %add3A_230 : i32
    %get3A_317 = arith.index_cast %add3A_316 : i32 to index
    %get3A_318 = tpu.vector_load %arg11[%get3A_317] {strides = array<i32>} : memref<20992xi32, #tpu.memory_space<vmem>>, vector<16xi32>,
    %add3A_319 = arith.constant 15088 : i32
    %add3A_320 = arith.addi %add3A_319, %add3A_230 : i32
    %get3A_321 = arith.index_cast %add3A_320 : i32 to index
    %get3A_322 = tpu.vector_load %arg11[%get3A_321] {strides = array<i32>} : memref<20992xi32, #tpu.memory_space<vmem>>, vector<16xi32>,
    %max3A_323 = arith.maxsi %min3A_314, %get3A_318 : vector<16xi32>
    %min3A_324 = arith.minsi %min3A_313, %get3A_322 : vector<16xi32>
    %min3A_325 = arith.minsi %max3A_323, %min3A_324 : vector<16xi32>
    %min3A_326 = arith.minsi %min3A_314, %get3A_318 : vector<16xi32>
    %add3A_327 = arith.constant 5248 : i32
    %add3A_328 = arith.addi %add3A_327, %add3A_230 : i32
    %get3A_329 = arith.index_cast %add3A_328 : i32 to index
    %get3A_330 = tpu.vector_load %arg11[%get3A_329] {strides = array<i32>} : memref<20992xi32, #tpu.memory_space<vmem>>, vector<16xi32>,
    %add3A_331 = arith.constant 15744 : i32
    %add3A_332 = arith.addi %add3A_331, %add3A_230 : i32
    %get3A_333 = arith.index_cast %add3A_332 : i32 to index
    %get3A_334 = tpu.vector_load %arg11[%get3A_333] {strides = array<i32>} : memref<20992xi32, #tpu.memory_space<vmem>>, vector<16xi32>,
    %max3A_335 = arith.maxsi %min3A_326, %get3A_330 : vector<16xi32>
    %min3A_336 = arith.minsi %min3A_325, %get3A_334 : vector<16xi32>
    %min3A_337 = arith.minsi %max3A_335, %min3A_336 : vector<16xi32>
    %min3A_338 = arith.minsi %min3A_326, %get3A_330 : vector<16xi32>
    %add3A_339 = arith.constant 5904 : i32
    %add3A_340 = arith.addi %add3A_339, %add3A_230 : i32
    %get3A_341 = arith.index_cast %add3A_340 : i32 to index
    %get3A_342 = tpu.vector_load %arg11[%get3A_341] {strides = array<i32>} : memref<20992xi32, #tpu.memory_space<vmem>>, vector<16xi32>,
    %add3A_343 = arith.constant 16400 : i32
    %add3A_344 = arith.addi %add3A_343, %add3A_230 : i32
    %get3A_345 = arith.index_cast %add3A_344 : i32 to index
    %get3A_346 = tpu.vector_load %arg11[%get3A_345] {strides = array<i32>} : memref<20992xi32, #tpu.memory_space<vmem>>, vector<16xi32>,
    %max3A_347 = arith.maxsi %min3A_338, %get3A_342 : vector<16xi32>
    %min3A_348 = arith.minsi %min3A_337, %get3A_346 : vector<16xi32>
    %min3A_349 = arith.minsi %max3A_347, %min3A_348 : vector<16xi32>
    %min3A_350 = arith.minsi %min3A_338, %get3A_342 : vector<16xi32>
    %add3A_351 = arith.constant 6560 : i32
    %add3A_352 = arith.addi %add3A_351, %add3A_230 : i32
    %get3A_353 = arith.index_cast %add3A_352 : i32 to index
    %get3A_354 = tpu.vector_load %arg11[%get3A_353] {strides = array<i32>} : memref<20992xi32, #tpu.memory_space<vmem>>, vector<16xi32>,
    %add3A_355 = arith.constant 17056 : i32
    %add3A_356 = arith.addi %add3A_355, %add3A_230 : i32
    %get3A_357 = arith.index_cast %add3A_356 : i32 to index
    %get3A_358 = tpu.vector_load %arg11[%get3A_357] {strides = array<i32>} : memref<20992xi32, #tpu.memory_space<vmem>>, vector<16xi32>,
    %max3A_359 = arith.maxsi %min3A_350, %get3A_354 : vector<16xi32>
    %min3A_360 = arith.minsi %min3A_349, %get3A_358 : vector<16xi32>
    %min3A_361 = arith.minsi %max3A_359, %min3A_360 : vector<16xi32>
    %min3A_362 = arith.minsi %min3A_350, %get3A_354 : vector<16xi32>
    %add3A_363 = arith.constant 7216 : i32
    %add3A_364 = arith.addi %add3A_363, %add3A_230 : i32
    %get3A_365 = arith.index_cast %add3A_364 : i32 to index
    %get3A_366 = tpu.vector_load %arg11[%get3A_365] {strides = array<i32>} : memref<20992xi32, #tpu.memory_space<vmem>>, vector<16xi32>,
    %add3A_367 = arith.constant 17712 : i32
    %add3A_368 = arith.addi %add3A_367, %add3A_230 : i32
    %get3A_369 = arith.index_cast %add3A_368 : i32 to index
    %get3A_370 = tpu.vector_load %arg11[%get3A_369] {strides = array<i32>} : memref<20992xi32, #tpu.memory_space<vmem>>, vector<16xi32>,
    %max3A_371 = arith.maxsi %min3A_362, %get3A_366 : vector<16xi32>
    %min3A_372 = arith.minsi %min3A_361, %get3A_370 : vector<16xi32>
    %min3A_373 = arith.minsi %max3A_371, %min3A_372 : vector<16xi32>
    %min3A_374 = arith.minsi %min3A_362, %get3A_366 : vector<16xi32>
    %add3A_375 = arith.constant 7872 : i32
    %add3A_376 = arith.addi %add3A_375, %add3A_230 : i32
    %get3A_377 = arith.index_cast %add3A_376 : i32 to index
    %get3A_378 = tpu.vector_load %arg11[%get3A_377] {strides = array<i32>} : memref<20992xi32, #tpu.memory_space<vmem>>, vector<16xi32>,
    %add3A_379 = arith.constant 18368 : i32
    %add3A_380 = arith.addi %add3A_379, %add3A_230 : i32
    %get3A_381 = arith.index_cast %add3A_380 : i32 to index
    %get3A_382 = tpu.vector_load %arg11[%get3A_381] {strides = array<i32>} : memref<20992xi32, #tpu.memory_space<vmem>>, vector<16xi32>,
    %max3A_383 = arith.maxsi %min3A_374, %get3A_378 : vector<16xi32>
    %min3A_384 = arith.minsi %min3A_373, %get3A_382 : vector<16xi32>
    %min3A_385 = arith.minsi %max3A_383, %min3A_384 : vector<16xi32>
    %min3A_386 = arith.minsi %min3A_374, %get3A_378 : vector<16xi32>
    %add3A_387 = arith.constant 8528 : i32
    %add3A_388 = arith.addi %add3A_387, %add3A_230 : i32
    %get3A_389 = arith.index_cast %add3A_388 : i32 to index
    %get3A_390 = tpu.vector_load %arg11[%get3A_389] {strides = array<i32>} : memref<20992xi32, #tpu.memory_space<vmem>>, vector<16xi32>,
    %add3A_391 = arith.constant 19024 : i32
    %add3A_392 = arith.addi %add3A_391, %add3A_230 : i32
    %get3A_393 = arith.index_cast %add3A_392 : i32 to index
    %get3A_394 = tpu.vector_load %arg11[%get3A_393] {strides = array<i32>} : memref<20992xi32, #tpu.memory_space<vmem>>, vector<16xi32>,
    %max3A_395 = arith.maxsi %min3A_386, %get3A_390 : vector<16xi32>
    %min3A_396 = arith.minsi %min3A_385, %get3A_394 : vector<16xi32>
    %min3A_397 = arith.minsi %max3A_395, %min3A_396 : vector<16xi32>
    %min3A_398 = arith.minsi %min3A_386, %get3A_390 : vector<16xi32>
    %add3A_399 = arith.constant 9184 : i32
    %add3A_400 = arith.addi %add3A_399, %add3A_230 : i32
    %get3A_401 = arith.index_cast %add3A_400 : i32 to index
    %get3A_402 = tpu.vector_load %arg11[%get3A_401] {strides = array<i32>} : memref<20992xi32, #tpu.memory_space<vmem>>, vector<16xi32>,
    %add3A_403 = arith.constant 19680 : i32
    %add3A_404 = arith.addi %add3A_403, %add3A_230 : i32
    %get3A_405 = arith.index_cast %add3A_404 : i32 to index
    %get3A_406 = tpu.vector_load %arg11[%get3A_405] {strides = array<i32>} : memref<20992xi32, #tpu.memory_space<vmem>>, vector<16xi32>,
    %max3A_407 = arith.maxsi %min3A_398, %get3A_402 : vector<16xi32>
    %min3A_408 = arith.minsi %min3A_397, %get3A_406 : vector<16xi32>
    %min3A_409 = arith.minsi %max3A_407, %min3A_408 : vector<16xi32>
    %min3A_410 = arith.minsi %min3A_398, %get3A_402 : vector<16xi32>
    %add3A_411 = arith.constant 9840 : i32
    %add3A_412 = arith.addi %add3A_411, %add3A_230 : i32
    %get3A_413 = arith.index_cast %add3A_412 : i32 to index
    %get3A_414 = tpu.vector_load %arg11[%get3A_413] {strides = array<i32>} : memref<20992xi32, #tpu.memory_space<vmem>>, vector<16xi32>,
    %add3A_415 = arith.constant 20336 : i32
    %add3A_416 = arith.addi %add3A_415, %add3A_230 : i32
    %get3A_417 = arith.index_cast %add3A_416 : i32 to index
    %get3A_418 = tpu.vector_load %arg11[%get3A_417] {strides = array<i32>} : memref<20992xi32, #tpu.memory_space<vmem>>, vector<16xi32>,
    %max3A_419 = arith.maxsi %min3A_410, %get3A_414 : vector<16xi32>
    %min3A_420 = arith.minsi %min3A_409, %get3A_418 : vector<16xi32>
    %min3A_421 = arith.minsi %max3A_419, %min3A_420 : vector<16xi32>
    %min3A_422 = arith.minsi %min3A_410, %get3A_414 : vector<16xi32>
    %eq3A_423 = arith.constant 0 : i32
    %eq3A_424 = arith.cmpi eq, %arg0, %eq3A_423 : i32
    %select_n3A_425 = arith.select %eq3A_424, %min3A_422, %min3A_421 : vector<16xi32>
    %min3A_426 = arith.constant 16383 : i32
    %min3A_427 = vector.broadcast %min3A_426 : i32 to vector<16xi32>
    %min3A_428 = arith.minsi %select_n3A_425, %min3A_427 : vector<16xi32>
    %swap3A_429 = arith.constant 16 : index
    %swap3A_430 = tpu.vector_load %arg12[%swap3A_429] {strides = array<i32>} : memref<48xi32, #tpu.memory_space<vmem>>, vector<16xi32>,
    tpu.vector_store %arg12[%swap3A_429], %min3A_428 {strides = array<i32>} : memref<48xi32, #tpu.memory_space<vmem>>, vector<16xi32>,
    %lt3A_431 = arith.constant 1073741824 : i32
    %lt3A_432 = vector.broadcast %lt3A_431 : i32 to vector<16xi32>
    %lt3A_433 = arith.cmpi slt, %min3A_421, %lt3A_432 : vector<16xi32>
    %convert_element_type3A_434 = arith.extui %lt3A_433 : vector<16xi1> to vector<16xi32>
    %swap3A_435 = arith.constant 16 : index
    %swap3A_436 = tpu.vector_load %arg13[%swap3A_435] {strides = array<i32>} : memref<48xi32, #tpu.memory_space<vmem>>, vector<16xi32>,
    tpu.vector_store %arg13[%swap3A_435], %convert_element_type3A_434 {strides = array<i32>} : memref<48xi32, #tpu.memory_space<vmem>>, vector<16xi32>,
    %add3A_437 = arith.constant 32 : i32
    %add3A_438 = arith.addi %mul3A_28, %add3A_437 : i32
    %add3A_439 = arith.constant 0 : i32
    %add3A_440 = arith.addi %add3A_439, %add3A_438 : i32
    %get3A_441 = arith.index_cast %add3A_440 : i32 to index
    %get3A_442 = tpu.vector_load %arg11[%get3A_441] {strides = array<i32>} : memref<20992xi32, #tpu.memory_space<vmem>>, vector<16xi32>,
    %add3A_443 = arith.constant 10496 : i32
    %add3A_444 = arith.addi %add3A_443, %add3A_438 : i32
    %get3A_445 = arith.index_cast %add3A_444 : i32 to index
    %get3A_446 = tpu.vector_load %arg11[%get3A_445] {strides = array<i32>} : memref<20992xi32, #tpu.memory_space<vmem>>, vector<16xi32>,
    %max3A_447 = arith.maxsi %broadcast_in_dim3A_0, %get3A_442 : vector<16xi32>
    %min3A_448 = arith.minsi %broadcast_in_dim3A_0, %get3A_446 : vector<16xi32>
    %min3A_449 = arith.minsi %max3A_447, %min3A_448 : vector<16xi32>
    %min3A_450 = arith.minsi %broadcast_in_dim3A_0, %get3A_442 : vector<16xi32>
    %add3A_451 = arith.constant 656 : i32
    %add3A_452 = arith.addi %add3A_451, %add3A_438 : i32
    %get3A_453 = arith.index_cast %add3A_452 : i32 to index
    %get3A_454 = tpu.vector_load %arg11[%get3A_453] {strides = array<i32>} : memref<20992xi32, #tpu.memory_space<vmem>>, vector<16xi32>,
    %add3A_455 = arith.constant 11152 : i32
    %add3A_456 = arith.addi %add3A_455, %add3A_438 : i32
    %get3A_457 = arith.index_cast %add3A_456 : i32 to index
    %get3A_458 = tpu.vector_load %arg11[%get3A_457] {strides = array<i32>} : memref<20992xi32, #tpu.memory_space<vmem>>, vector<16xi32>,
    %max3A_459 = arith.maxsi %min3A_450, %get3A_454 : vector<16xi32>
    %min3A_460 = arith.minsi %min3A_449, %get3A_458 : vector<16xi32>
    %min3A_461 = arith.minsi %max3A_459, %min3A_460 : vector<16xi32>
    %min3A_462 = arith.minsi %min3A_450, %get3A_454 : vector<16xi32>
    %add3A_463 = arith.constant 1312 : i32
    %add3A_464 = arith.addi %add3A_463, %add3A_438 : i32
    %get3A_465 = arith.index_cast %add3A_464 : i32 to index
    %get3A_466 = tpu.vector_load %arg11[%get3A_465] {strides = array<i32>} : memref<20992xi32, #tpu.memory_space<vmem>>, vector<16xi32>,
    %add3A_467 = arith.constant 11808 : i32
    %add3A_468 = arith.addi %add3A_467, %add3A_438 : i32
    %get3A_469 = arith.index_cast %add3A_468 : i32 to index
    %get3A_470 = tpu.vector_load %arg11[%get3A_469] {strides = array<i32>} : memref<20992xi32, #tpu.memory_space<vmem>>, vector<16xi32>,
    %max3A_471 = arith.maxsi %min3A_462, %get3A_466 : vector<16xi32>
    %min3A_472 = arith.minsi %min3A_461, %get3A_470 : vector<16xi32>
    %min3A_473 = arith.minsi %max3A_471, %min3A_472 : vector<16xi32>
    %min3A_474 = arith.minsi %min3A_462, %get3A_466 : vector<16xi32>
    %add3A_475 = arith.constant 1968 : i32
    %add3A_476 = arith.addi %add3A_475, %add3A_438 : i32
    %get3A_477 = arith.index_cast %add3A_476 : i32 to index
    %get3A_478 = tpu.vector_load %arg11[%get3A_477] {strides = array<i32>} : memref<20992xi32, #tpu.memory_space<vmem>>, vector<16xi32>,
    %add3A_479 = arith.constant 12464 : i32
    %add3A_480 = arith.addi %add3A_479, %add3A_438 : i32
    %get3A_481 = arith.index_cast %add3A_480 : i32 to index
    %get3A_482 = tpu.vector_load %arg11[%get3A_481] {strides = array<i32>} : memref<20992xi32, #tpu.memory_space<vmem>>, vector<16xi32>,
    %max3A_483 = arith.maxsi %min3A_474, %get3A_478 : vector<16xi32>
    %min3A_484 = arith.minsi %min3A_473, %get3A_482 : vector<16xi32>
    %min3A_485 = arith.minsi %max3A_483, %min3A_484 : vector<16xi32>
    %min3A_486 = arith.minsi %min3A_474, %get3A_478 : vector<16xi32>
    %add3A_487 = arith.constant 2624 : i32
    %add3A_488 = arith.addi %add3A_487, %add3A_438 : i32
    %get3A_489 = arith.index_cast %add3A_488 : i32 to index
    %get3A_490 = tpu.vector_load %arg11[%get3A_489] {strides = array<i32>} : memref<20992xi32, #tpu.memory_space<vmem>>, vector<16xi32>,
    %add3A_491 = arith.constant 13120 : i32
    %add3A_492 = arith.addi %add3A_491, %add3A_438 : i32
    %get3A_493 = arith.index_cast %add3A_492 : i32 to index
    %get3A_494 = tpu.vector_load %arg11[%get3A_493] {strides = array<i32>} : memref<20992xi32, #tpu.memory_space<vmem>>, vector<16xi32>,
    %max3A_495 = arith.maxsi %min3A_486, %get3A_490 : vector<16xi32>
    %min3A_496 = arith.minsi %min3A_485, %get3A_494 : vector<16xi32>
    %min3A_497 = arith.minsi %max3A_495, %min3A_496 : vector<16xi32>
    %min3A_498 = arith.minsi %min3A_486, %get3A_490 : vector<16xi32>
    %add3A_499 = arith.constant 3280 : i32
    %add3A_500 = arith.addi %add3A_499, %add3A_438 : i32
    %get3A_501 = arith.index_cast %add3A_500 : i32 to index
    %get3A_502 = tpu.vector_load %arg11[%get3A_501] {strides = array<i32>} : memref<20992xi32, #tpu.memory_space<vmem>>, vector<16xi32>,
    %add3A_503 = arith.constant 13776 : i32
    %add3A_504 = arith.addi %add3A_503, %add3A_438 : i32
    %get3A_505 = arith.index_cast %add3A_504 : i32 to index
    %get3A_506 = tpu.vector_load %arg11[%get3A_505] {strides = array<i32>} : memref<20992xi32, #tpu.memory_space<vmem>>, vector<16xi32>,
    %max3A_507 = arith.maxsi %min3A_498, %get3A_502 : vector<16xi32>
    %min3A_508 = arith.minsi %min3A_497, %get3A_506 : vector<16xi32>
    %min3A_509 = arith.minsi %max3A_507, %min3A_508 : vector<16xi32>
    %min3A_510 = arith.minsi %min3A_498, %get3A_502 : vector<16xi32>
    %add3A_511 = arith.constant 3936 : i32
    %add3A_512 = arith.addi %add3A_511, %add3A_438 : i32
    %get3A_513 = arith.index_cast %add3A_512 : i32 to index
    %get3A_514 = tpu.vector_load %arg11[%get3A_513] {strides = array<i32>} : memref<20992xi32, #tpu.memory_space<vmem>>, vector<16xi32>,
    %add3A_515 = arith.constant 14432 : i32
    %add3A_516 = arith.addi %add3A_515, %add3A_438 : i32
    %get3A_517 = arith.index_cast %add3A_516 : i32 to index
    %get3A_518 = tpu.vector_load %arg11[%get3A_517] {strides = array<i32>} : memref<20992xi32, #tpu.memory_space<vmem>>, vector<16xi32>,
    %max3A_519 = arith.maxsi %min3A_510, %get3A_514 : vector<16xi32>
    %min3A_520 = arith.minsi %min3A_509, %get3A_518 : vector<16xi32>
    %min3A_521 = arith.minsi %max3A_519, %min3A_520 : vector<16xi32>
    %min3A_522 = arith.minsi %min3A_510, %get3A_514 : vector<16xi32>
    %add3A_523 = arith.constant 4592 : i32
    %add3A_524 = arith.addi %add3A_523, %add3A_438 : i32
    %get3A_525 = arith.index_cast %add3A_524 : i32 to index
    %get3A_526 = tpu.vector_load %arg11[%get3A_525] {strides = array<i32>} : memref<20992xi32, #tpu.memory_space<vmem>>, vector<16xi32>,
    %add3A_527 = arith.constant 15088 : i32
    %add3A_528 = arith.addi %add3A_527, %add3A_438 : i32
    %get3A_529 = arith.index_cast %add3A_528 : i32 to index
    %get3A_530 = tpu.vector_load %arg11[%get3A_529] {strides = array<i32>} : memref<20992xi32, #tpu.memory_space<vmem>>, vector<16xi32>,
    %max3A_531 = arith.maxsi %min3A_522, %get3A_526 : vector<16xi32>
    %min3A_532 = arith.minsi %min3A_521, %get3A_530 : vector<16xi32>
    %min3A_533 = arith.minsi %max3A_531, %min3A_532 : vector<16xi32>
    %min3A_534 = arith.minsi %min3A_522, %get3A_526 : vector<16xi32>
    %add3A_535 = arith.constant 5248 : i32
    %add3A_536 = arith.addi %add3A_535, %add3A_438 : i32
    %get3A_537 = arith.index_cast %add3A_536 : i32 to index
    %get3A_538 = tpu.vector_load %arg11[%get3A_537] {strides = array<i32>} : memref<20992xi32, #tpu.memory_space<vmem>>, vector<16xi32>,
    %add3A_539 = arith.constant 15744 : i32
    %add3A_540 = arith.addi %add3A_539, %add3A_438 : i32
    %get3A_541 = arith.index_cast %add3A_540 : i32 to index
    %get3A_542 = tpu.vector_load %arg11[%get3A_541] {strides = array<i32>} : memref<20992xi32, #tpu.memory_space<vmem>>, vector<16xi32>,
    %max3A_543 = arith.maxsi %min3A_534, %get3A_538 : vector<16xi32>
    %min3A_544 = arith.minsi %min3A_533, %get3A_542 : vector<16xi32>
    %min3A_545 = arith.minsi %max3A_543, %min3A_544 : vector<16xi32>
    %min3A_546 = arith.minsi %min3A_534, %get3A_538 : vector<16xi32>
    %add3A_547 = arith.constant 5904 : i32
    %add3A_548 = arith.addi %add3A_547, %add3A_438 : i32
    %get3A_549 = arith.index_cast %add3A_548 : i32 to index
    %get3A_550 = tpu.vector_load %arg11[%get3A_549] {strides = array<i32>} : memref<20992xi32, #tpu.memory_space<vmem>>, vector<16xi32>,
    %add3A_551 = arith.constant 16400 : i32
    %add3A_552 = arith.addi %add3A_551, %add3A_438 : i32
    %get3A_553 = arith.index_cast %add3A_552 : i32 to index
    %get3A_554 = tpu.vector_load %arg11[%get3A_553] {strides = array<i32>} : memref<20992xi32, #tpu.memory_space<vmem>>, vector<16xi32>,
    %max3A_555 = arith.maxsi %min3A_546, %get3A_550 : vector<16xi32>
    %min3A_556 = arith.minsi %min3A_545, %get3A_554 : vector<16xi32>
    %min3A_557 = arith.minsi %max3A_555, %min3A_556 : vector<16xi32>
    %min3A_558 = arith.minsi %min3A_546, %get3A_550 : vector<16xi32>
    %add3A_559 = arith.constant 6560 : i32
    %add3A_560 = arith.addi %add3A_559, %add3A_438 : i32
    %get3A_561 = arith.index_cast %add3A_560 : i32 to index
    %get3A_562 = tpu.vector_load %arg11[%get3A_561] {strides = array<i32>} : memref<20992xi32, #tpu.memory_space<vmem>>, vector<16xi32>,
    %add3A_563 = arith.constant 17056 : i32
    %add3A_564 = arith.addi %add3A_563, %add3A_438 : i32
    %get3A_565 = arith.index_cast %add3A_564 : i32 to index
    %get3A_566 = tpu.vector_load %arg11[%get3A_565] {strides = array<i32>} : memref<20992xi32, #tpu.memory_space<vmem>>, vector<16xi32>,
    %max3A_567 = arith.maxsi %min3A_558, %get3A_562 : vector<16xi32>
    %min3A_568 = arith.minsi %min3A_557, %get3A_566 : vector<16xi32>
    %min3A_569 = arith.minsi %max3A_567, %min3A_568 : vector<16xi32>
    %min3A_570 = arith.minsi %min3A_558, %get3A_562 : vector<16xi32>
    %add3A_571 = arith.constant 7216 : i32
    %add3A_572 = arith.addi %add3A_571, %add3A_438 : i32
    %get3A_573 = arith.index_cast %add3A_572 : i32 to index
    %get3A_574 = tpu.vector_load %arg11[%get3A_573] {strides = array<i32>} : memref<20992xi32, #tpu.memory_space<vmem>>, vector<16xi32>,
    %add3A_575 = arith.constant 17712 : i32
    %add3A_576 = arith.addi %add3A_575, %add3A_438 : i32
    %get3A_577 = arith.index_cast %add3A_576 : i32 to index
    %get3A_578 = tpu.vector_load %arg11[%get3A_577] {strides = array<i32>} : memref<20992xi32, #tpu.memory_space<vmem>>, vector<16xi32>,
    %max3A_579 = arith.maxsi %min3A_570, %get3A_574 : vector<16xi32>
    %min3A_580 = arith.minsi %min3A_569, %get3A_578 : vector<16xi32>
    %min3A_581 = arith.minsi %max3A_579, %min3A_580 : vector<16xi32>
    %min3A_582 = arith.minsi %min3A_570, %get3A_574 : vector<16xi32>
    %add3A_583 = arith.constant 7872 : i32
    %add3A_584 = arith.addi %add3A_583, %add3A_438 : i32
    %get3A_585 = arith.index_cast %add3A_584 : i32 to index
    %get3A_586 = tpu.vector_load %arg11[%get3A_585] {strides = array<i32>} : memref<20992xi32, #tpu.memory_space<vmem>>, vector<16xi32>,
    %add3A_587 = arith.constant 18368 : i32
    %add3A_588 = arith.addi %add3A_587, %add3A_438 : i32
    %get3A_589 = arith.index_cast %add3A_588 : i32 to index
    %get3A_590 = tpu.vector_load %arg11[%get3A_589] {strides = array<i32>} : memref<20992xi32, #tpu.memory_space<vmem>>, vector<16xi32>,
    %max3A_591 = arith.maxsi %min3A_582, %get3A_586 : vector<16xi32>
    %min3A_592 = arith.minsi %min3A_581, %get3A_590 : vector<16xi32>
    %min3A_593 = arith.minsi %max3A_591, %min3A_592 : vector<16xi32>
    %min3A_594 = arith.minsi %min3A_582, %get3A_586 : vector<16xi32>
    %add3A_595 = arith.constant 8528 : i32
    %add3A_596 = arith.addi %add3A_595, %add3A_438 : i32
    %get3A_597 = arith.index_cast %add3A_596 : i32 to index
    %get3A_598 = tpu.vector_load %arg11[%get3A_597] {strides = array<i32>} : memref<20992xi32, #tpu.memory_space<vmem>>, vector<16xi32>,
    %add3A_599 = arith.constant 19024 : i32
    %add3A_600 = arith.addi %add3A_599, %add3A_438 : i32
    %get3A_601 = arith.index_cast %add3A_600 : i32 to index
    %get3A_602 = tpu.vector_load %arg11[%get3A_601] {strides = array<i32>} : memref<20992xi32, #tpu.memory_space<vmem>>, vector<16xi32>,
    %max3A_603 = arith.maxsi %min3A_594, %get3A_598 : vector<16xi32>
    %min3A_604 = arith.minsi %min3A_593, %get3A_602 : vector<16xi32>
    %min3A_605 = arith.minsi %max3A_603, %min3A_604 : vector<16xi32>
    %min3A_606 = arith.minsi %min3A_594, %get3A_598 : vector<16xi32>
    %add3A_607 = arith.constant 9184 : i32
    %add3A_608 = arith.addi %add3A_607, %add3A_438 : i32
    %get3A_609 = arith.index_cast %add3A_608 : i32 to index
    %get3A_610 = tpu.vector_load %arg11[%get3A_609] {strides = array<i32>} : memref<20992xi32, #tpu.memory_space<vmem>>, vector<16xi32>,
    %add3A_611 = arith.constant 19680 : i32
    %add3A_612 = arith.addi %add3A_611, %add3A_438 : i32
    %get3A_613 = arith.index_cast %add3A_612 : i32 to index
    %get3A_614 = tpu.vector_load %arg11[%get3A_613] {strides = array<i32>} : memref<20992xi32, #tpu.memory_space<vmem>>, vector<16xi32>,
    %max3A_615 = arith.maxsi %min3A_606, %get3A_610 : vector<16xi32>
    %min3A_616 = arith.minsi %min3A_605, %get3A_614 : vector<16xi32>
    %min3A_617 = arith.minsi %max3A_615, %min3A_616 : vector<16xi32>
    %min3A_618 = arith.minsi %min3A_606, %get3A_610 : vector<16xi32>
    %add3A_619 = arith.constant 9840 : i32
    %add3A_620 = arith.addi %add3A_619, %add3A_438 : i32
    %get3A_621 = arith.index_cast %add3A_620 : i32 to index
    %get3A_622 = tpu.vector_load %arg11[%get3A_621] {strides = array<i32>} : memref<20992xi32, #tpu.memory_space<vmem>>, vector<16xi32>,
    %add3A_623 = arith.constant 20336 : i32
    %add3A_624 = arith.addi %add3A_623, %add3A_438 : i32
    %get3A_625 = arith.index_cast %add3A_624 : i32 to index
    %get3A_626 = tpu.vector_load %arg11[%get3A_625] {strides = array<i32>} : memref<20992xi32, #tpu.memory_space<vmem>>, vector<16xi32>,
    %max3A_627 = arith.maxsi %min3A_618, %get3A_622 : vector<16xi32>
    %min3A_628 = arith.minsi %min3A_617, %get3A_626 : vector<16xi32>
    %min3A_629 = arith.minsi %max3A_627, %min3A_628 : vector<16xi32>
    %min3A_630 = arith.minsi %min3A_618, %get3A_622 : vector<16xi32>
    %eq3A_631 = arith.constant 0 : i32
    %eq3A_632 = arith.cmpi eq, %arg0, %eq3A_631 : i32
    %select_n3A_633 = arith.select %eq3A_632, %min3A_630, %min3A_629 : vector<16xi32>
    %min3A_634 = arith.constant 16383 : i32
    %min3A_635 = vector.broadcast %min3A_634 : i32 to vector<16xi32>
    %min3A_636 = arith.minsi %select_n3A_633, %min3A_635 : vector<16xi32>
    %swap3A_637 = arith.constant 32 : index
    %swap3A_638 = tpu.vector_load %arg12[%swap3A_637] {strides = array<i32>} : memref<48xi32, #tpu.memory_space<vmem>>, vector<16xi32>,
    tpu.vector_store %arg12[%swap3A_637], %min3A_636 {strides = array<i32>} : memref<48xi32, #tpu.memory_space<vmem>>, vector<16xi32>,
    %lt3A_639 = arith.constant 1073741824 : i32
    %lt3A_640 = vector.broadcast %lt3A_639 : i32 to vector<16xi32>
    %lt3A_641 = arith.cmpi slt, %min3A_629, %lt3A_640 : vector<16xi32>
    %convert_element_type3A_642 = arith.extui %lt3A_641 : vector<16xi1> to vector<16xi32>
    %swap3A_643 = arith.constant 32 : index
    %swap3A_644 = tpu.vector_load %arg13[%swap3A_643] {strides = array<i32>} : memref<48xi32, #tpu.memory_space<vmem>>, vector<16xi32>,
    tpu.vector_store %arg13[%swap3A_643], %convert_element_type3A_642 {strides = array<i32>} : memref<48xi32, #tpu.memory_space<vmem>>, vector<16xi32>,
    %dma_start3A = arith.constant 0 : i32
    %dma_start3A_645 = tpu.memref_slice %arg12[%dma_start3A] : memref<48xi32, #tpu.memory_space<vmem>> -> memref<40xi32, #tpu.memory_space<vmem>>
    %dma_start3A_646 = arith.constant 0 : i32
    %dma_start3A_647 = arith.constant 0 : i32
    %dma_start3A_648 = tpu.memref_slice %arg2[%dma_start3A_646, %dma_start3A_647] : memref<16384x256xf32, #tpu.memory_space<hbm>> -> memref<16384x256xf32, #tpu.memory_space<hbm>>
    tpu.enqueue_indirect_dma source(%dma_start3A_648 : memref<16384x256xf32, #tpu.memory_space<hbm>>) target(%arg14 : memref<40x256xf32, #tpu.memory_space<vmem>>) offsets(%dma_start3A_645 : memref<40xi32, #tpu.memory_space<vmem>>) semaphore(%arg16 : memref<!tpu.dma_semaphore, #tpu.memory_space<semaphore_mem>>)
    %dma_wait3A = arith.constant 0 : i32
    %dma_wait3A_649 = tpu.memref_slice %arg12[%dma_wait3A] : memref<48xi32, #tpu.memory_space<vmem>> -> memref<40xi32, #tpu.memory_space<vmem>>
    %dma_wait3A_650 = arith.constant 0 : i32
    %dma_wait3A_651 = arith.constant 0 : i32
    %dma_wait3A_652 = tpu.memref_slice %arg2[%dma_wait3A_650, %dma_wait3A_651] : memref<16384x256xf32, #tpu.memory_space<hbm>> -> memref<16384x256xf32, #tpu.memory_space<hbm>>
    tpu.wait_indirect_dma semaphore(%arg16 : memref<!tpu.dma_semaphore, #tpu.memory_space<semaphore_mem>>) src(%dma_wait3A_652 : memref<16384x256xf32, #tpu.memory_space<hbm>>) dst(%arg14 : memref<40x256xf32, #tpu.memory_space<vmem>>)
    %eq3A_653 = arith.constant 0 : i32
    %eq3A_654 = arith.cmpi eq, %arg0, %eq3A_653 : i32
    %add3A_655 = arith.constant 640 : i32
    %add3A_656 = arith.addi %add3A_655, %mul3A_28 : i32
    %select_n3A_657 = arith.select %eq3A_654, %mul3A_28, %add3A_656 : i32
    "tpu.region"() ({
      %run_scoped3A = tpu.sem_alloc : memref<!tpu.dma_semaphore, #tpu.memory_space<semaphore_mem>>
      %dma_start3A_662 = arith.constant 0 : i32
      %dma_start3A_663 = tpu.memref_slice %arg4[%select_n3A_657, %dma_start3A_662] : memref<1280x256xf32, #tpu.memory_space<hbm>> -> memref<40x256xf32, #tpu.memory_space<hbm>>
      %dma_start3A_664 = arith.constant 0 : i32
      %dma_start3A_665 = tpu.memref_slice %arg4[%select_n3A_657, %dma_start3A_664] : memref<1280x256xf32, #tpu.memory_space<hbm>> -> memref<40x256xf32, #tpu.memory_space<hbm>>
      tpu.enqueue_dma source(%arg14 : memref<40x256xf32, #tpu.memory_space<vmem>>) target(%dma_start3A_665 : memref<40x256xf32, #tpu.memory_space<hbm>>) target_semaphore(%run_scoped3A : memref<!tpu.dma_semaphore, #tpu.memory_space<semaphore_mem>>)
      %dma_wait3A_666 = arith.constant 0 : i32
      %dma_wait3A_667 = tpu.memref_slice %arg4[%select_n3A_657, %dma_wait3A_666] : memref<1280x256xf32, #tpu.memory_space<hbm>> -> memref<40x256xf32, #tpu.memory_space<hbm>>
      %dma_wait3A_668 = arith.constant 0 : i32
      %dma_wait3A_669 = tpu.memref_slice %arg4[%select_n3A_657, %dma_wait3A_668] : memref<1280x256xf32, #tpu.memory_space<hbm>> -> memref<40x256xf32, #tpu.memory_space<hbm>>
      tpu.wait_dma2 semaphore(%run_scoped3A : memref<!tpu.dma_semaphore, #tpu.memory_space<semaphore_mem>>) src(%arg14 : memref<40x256xf32, #tpu.memory_space<vmem>>) dst(%dma_wait3A_669 : memref<40x256xf32, #tpu.memory_space<hbm>>)
      tpu.yield
    }) : () -> ()
    %eq3A_658 = arith.constant 0 : i32
    %eq3A_659 = arith.cmpi eq, %arg0, %eq3A_658 : i32
    %convert_element_type3A_660 = arith.extui %eq3A_659 : i1 to i32
    %cond3A = arith.constant 0 : i32
    %cond3A_661 = arith.cmpi ne, %convert_element_type3A_660, %cond3A : i32
    scf.if %cond3A_661 {
      "tpu.region"() ({
        %run_scoped3A = tpu.sem_alloc : memref<!tpu.dma_semaphore, #tpu.memory_space<semaphore_mem>>
        %dma_start3A_662 = arith.constant 0 : i32
        %dma_start3A_663 = tpu.memref_slice %arg13[%dma_start3A_662] : memref<48xi32, #tpu.memory_space<vmem>> -> memref<40xi32, #tpu.memory_space<vmem>>
        %dma_start3A_664 = tpu.memref_slice %arg5[%mul3A_28] : memref<640xi32, #tpu.memory_space<hbm>> -> memref<40xi32, #tpu.memory_space<hbm>>
        %dma_start3A_665 = tpu.memref_slice %arg5[%mul3A_28] : memref<640xi32, #tpu.memory_space<hbm>> -> memref<40xi32, #tpu.memory_space<hbm>>
        %dma_start3A_666 = arith.constant 0 : i32
        %dma_start3A_667 = tpu.memref_slice %arg13[%dma_start3A_666] : memref<48xi32, #tpu.memory_space<vmem>> -> memref<40xi32, #tpu.memory_space<vmem>>
        tpu.enqueue_dma source(%dma_start3A_667 : memref<40xi32, #tpu.memory_space<vmem>>) target(%dma_start3A_665 : memref<40xi32, #tpu.memory_space<hbm>>) target_semaphore(%run_scoped3A : memref<!tpu.dma_semaphore, #tpu.memory_space<semaphore_mem>>)
        %dma_wait3A_668 = arith.constant 0 : i32
        %dma_wait3A_669 = tpu.memref_slice %arg13[%dma_wait3A_668] : memref<48xi32, #tpu.memory_space<vmem>> -> memref<40xi32, #tpu.memory_space<vmem>>
        %dma_wait3A_670 = tpu.memref_slice %arg5[%mul3A_28] : memref<640xi32, #tpu.memory_space<hbm>> -> memref<40xi32, #tpu.memory_space<hbm>>
        %dma_wait3A_671 = tpu.memref_slice %arg5[%mul3A_28] : memref<640xi32, #tpu.memory_space<hbm>> -> memref<40xi32, #tpu.memory_space<hbm>>
        %dma_wait3A_672 = arith.constant 0 : i32
        %dma_wait3A_673 = tpu.memref_slice %arg13[%dma_wait3A_672] : memref<48xi32, #tpu.memory_space<vmem>> -> memref<40xi32, #tpu.memory_space<vmem>>
        tpu.wait_dma2 semaphore(%run_scoped3A : memref<!tpu.dma_semaphore, #tpu.memory_space<semaphore_mem>>) src(%dma_wait3A_673 : memref<40xi32, #tpu.memory_space<vmem>>) dst(%dma_wait3A_671 : memref<40xi32, #tpu.memory_space<hbm>>)
        tpu.yield
      }) : () -> ()
    } else {
    }
    return
  }
}

module attributes {stable_mosaic.version = 14 : i64} {
  func.func @_dist_body(%arg0: i32, %arg1: memref<2048x256xf32, #tpu.memory_space<vmem>>, %arg2: memref<1x1x2048xi32, #tpu.memory_space<vmem>>, %arg3: memref<640x256xf32, #tpu.memory_space<vmem>>, %arg4: memref<640x256xf32, #tpu.memory_space<vmem>>, %arg5: memref<640xi32, #tpu.memory_space<vmem>>, %arg6: memref<1x1xf32, #tpu.memory_space<vmem>>, %arg7: memref<16x640xbf16, #tpu.memory_space<vmem>>, %arg8: memref<2048x640xi16, #tpu.memory_space<vmem>>, %arg9: memref<2048x640xi8, #tpu.memory_space<vmem>>) attributes {dimension_semantics = [#tpu.dimension_semantics<arbitrary>], iteration_bounds = array<i64: 8>, scalar_prefetch = 0 : i64, scratch_operands = 3 : i64, tpu.core_type = #tpu.core_type<tc>, window_params = [{transform_indices = @transform_0, window_bounds = array<i64: 2048, 256>}, {transform_indices = @transform_1, window_bounds = array<i64: 1, 1, 2048>}, {transform_indices = @transform_2, window_bounds = array<i64: 640, 256>}, {transform_indices = @transform_3, window_bounds = array<i64: 640, 256>}, {pipeline_mode = #tpu.pipeline_mode<synchronous>, transform_indices = @transform_4, window_bounds = array<i64: 640>}, {pipeline_mode = #tpu.pipeline_mode<synchronous>, transform_indices = @transform_5, window_bounds = array<i64: 1, 1>}]} {
    %eq3A = arith.constant 0 : i32
    %eq3A_0 = arith.cmpi eq, %arg0, %eq3A : i32
    %convert_element_type3A = arith.extui %eq3A_0 : i1 to i32
    %cond3A = arith.constant 0 : i32
    %cond3A_1 = arith.cmpi ne, %convert_element_type3A, %cond3A : i32
    scf.if %cond3A_1 {
      %broadcast_in_dim3A_75 = arith.constant 1.000260e+30 : bf16
      %broadcast_in_dim3A_76 = vector.broadcast %broadcast_in_dim3A_75 : bf16 to vector<16x640xbf16>
      %swap3A_77 = arith.constant 0 : index
      %swap3A_78 = arith.constant 0 : index
      %swap3A_79 = vector.load %arg7[%swap3A_77, %swap3A_78] : memref<16x640xbf16, #tpu.memory_space<vmem>>, vector<16x640xbf16>
      tpu.vector_store %arg7[%swap3A_77, %swap3A_78], %broadcast_in_dim3A_76 {strides = array<i32>} : memref<16x640xbf16, #tpu.memory_space<vmem>>, vector<16x640xbf16>,
      %iota3A = tpu.iota {dimensions = array<i32: 1>} : vector<2048x640xi32>
      %convert_element_type3A_80 = arith.trunci %iota3A : vector<2048x640xi32> to vector<2048x640xi16>
      %swap3A_81 = arith.constant 0 : index
      %swap3A_82 = arith.constant 0 : index
      %swap3A_83 = vector.load %arg8[%swap3A_81, %swap3A_82] : memref<2048x640xi16, #tpu.memory_space<vmem>>, vector<2048x640xi16>
      tpu.vector_store %arg8[%swap3A_81, %swap3A_82], %convert_element_type3A_80 {strides = array<i32>} : memref<2048x640xi16, #tpu.memory_space<vmem>>, vector<2048x640xi16>,
      %jit3A_84 = arith.constant 6 : i32
      %div3A_85 = vector.broadcast %jit3A_84 : i32 to vector<2048x640xi32>
      %div3A_86 = arith.divsi %iota3A, %div3A_85 : vector<2048x640xi32>
      %sign3A_87 = arith.constant 0 : i32
      %sign3A_88 = vector.broadcast %sign3A_87 : i32 to vector<2048x640xi32>
      %sign3A_89 = arith.cmpi sgt, %iota3A, %sign3A_88 : vector<2048x640xi32>
      %sign3A_90 = arith.extui %sign3A_89 : vector<2048x640xi1> to vector<2048x640xi32>
      %sign3A_91 = arith.constant 0 : i32
      %sign3A_92 = vector.broadcast %sign3A_91 : i32 to vector<2048x640xi32>
      %sign3A_93 = arith.cmpi slt, %iota3A, %sign3A_92 : vector<2048x640xi32>
      %sign3A_94 = arith.extui %sign3A_93 : vector<2048x640xi1> to vector<2048x640xi32>
      %sign3A_95 = arith.subi %sign3A_90, %sign3A_94 : vector<2048x640xi32>
      %sign3A_96 = arith.constant 0 : i32
      %sign3A_97 = arith.cmpi sgt, %jit3A_84, %sign3A_96 : i32
      %sign3A_98 = arith.extui %sign3A_97 : i1 to i32
      %sign3A_99 = arith.constant 0 : i32
      %sign3A_100 = arith.cmpi slt, %jit3A_84, %sign3A_99 : i32
      %sign3A_101 = arith.extui %sign3A_100 : i1 to i32
      %sign3A_102 = arith.subi %sign3A_98, %sign3A_101 : i32
      %ne3A_103 = vector.broadcast %sign3A_102 : i32 to vector<2048x640xi32>
      %ne3A_104 = arith.cmpi ne, %sign3A_95, %ne3A_103 : vector<2048x640xi32>
      %rem3A_105 = vector.broadcast %jit3A_84 : i32 to vector<2048x640xi32>
      %rem3A_106 = arith.remsi %iota3A, %rem3A_105 : vector<2048x640xi32>
      %ne3A_107 = arith.constant 0 : i32
      %ne3A_108 = vector.broadcast %ne3A_107 : i32 to vector<2048x640xi32>
      %ne3A_109 = arith.cmpi ne, %rem3A_106, %ne3A_108 : vector<2048x640xi32>
      %and3A_110 = arith.andi %ne3A_104, %ne3A_109 : vector<2048x640xi1>
      %sub3A_111 = arith.constant 1 : i32
      %sub3A_112 = vector.broadcast %sub3A_111 : i32 to vector<2048x640xi32>
      %sub3A_113 = arith.subi %div3A_86, %sub3A_112 : vector<2048x640xi32>
      %select_n3A_114 = arith.select %and3A_110, %sub3A_113, %div3A_86 : vector<2048x640xi1>, vector<2048x640xi32>
      %convert_element_type3A_115 = arith.trunci %select_n3A_114 : vector<2048x640xi32> to vector<2048x640xi8>
      %swap3A_116 = arith.constant 0 : index
      %swap3A_117 = arith.constant 0 : index
      %swap3A_118 = vector.load %arg9[%swap3A_116, %swap3A_117] : memref<2048x640xi8, #tpu.memory_space<vmem>>, vector<2048x640xi8>
      tpu.vector_store %arg9[%swap3A_116, %swap3A_117], %convert_element_type3A_115 {strides = array<i32>} : memref<2048x640xi8, #tpu.memory_space<vmem>>, vector<2048x640xi8>,
    } else {
    }
    %get3A = arith.constant 0 : index
    %get3A_2 = arith.constant 0 : index
    %get3A_3 = vector.load %arg1[%get3A, %get3A_2] : memref<2048x256xf32, #tpu.memory_space<vmem>>, vector<2048x256xf32>
    %convert_element_type3A_4 = arith.truncf %get3A_3 : vector<2048x256xf32> to vector<2048x256xbf16>
    %get3A_5 = arith.constant 0 : index
    %get3A_6 = arith.constant 0 : index
    %get3A_7 = vector.load %arg3[%get3A_5, %get3A_6] : memref<640x256xf32, #tpu.memory_space<vmem>>, vector<640x256xf32>
    %convert_element_type3A_8 = arith.truncf %get3A_7 : vector<640x256xf32> to vector<640x256xbf16>
    %dot_general3A = arith.constant dense<0.000000e+00> : vector<2048x640xf32>
    %dot_general3A_9 = tpu.matmul %convert_element_type3A_4, %convert_element_type3A_8, %dot_general3A {dimension_numbers = #tpu.dot_dimension_numbers<[1], [1], [0], [0], [0, 0, 1, 0], [], []>, transpose_lhs_hint = false} : vector<2048x256xbf16>, vector<640x256xbf16>, vector<2048x640xf32> -> vector<2048x640xf32>
    %mul3A = arith.mulf %get3A_3, %get3A_3 : vector<2048x256xf32>
    %reduce_sum3A = arith.constant dense<0.000000e+00> : vector<2048xf32>
    %reduce_sum3A_10 = vector.multi_reduction <add>, %mul3A, %reduce_sum3A [1] : vector<2048x256xf32> to vector<2048xf32>
    %convert_element_type3A_11 = arith.truncf %reduce_sum3A_10 : vector<2048xf32> to vector<2048xbf16>
    %broadcast_in_dim3A = vector.shape_cast %convert_element_type3A_11 : vector<2048xbf16> to vector<2048x1xbf16>
    %convert_element_type3A_12 = arith.truncf %dot_general3A_9 : vector<2048x640xf32> to vector<2048x640xbf16>
    %mul3A_13 = arith.constant 2.000000e+00 : bf16
    %mul3A_14 = vector.broadcast %mul3A_13 : bf16 to vector<2048x640xbf16>
    %mul3A_15 = arith.mulf %mul3A_14, %convert_element_type3A_12 : vector<2048x640xbf16>
    %sub3A = vector.broadcast %broadcast_in_dim3A : vector<2048x1xbf16> to vector<2048x640xbf16>
    %sub3A_16 = arith.subf %sub3A, %mul3A_15 : vector<2048x640xbf16>
    %get3A_17 = arith.constant 0 : index
    %get3A_18 = arith.constant 0 : index
    %get3A_19 = arith.constant 0 : index
    %get3A_20 = vector.load %arg2[%get3A_17, %get3A_18, %get3A_19] : memref<1x1x2048xi32, #tpu.memory_space<vmem>>, vector<1x1x2048xi32>
    %get3A_21 = vector.shape_cast %get3A_20 : vector<1x1x2048xi32> to vector<2048xi32>
    %convert_element_type3A_22 = arith.trunci %get3A_21 : vector<2048xi32> to vector<2048xi16>
    %broadcast_in_dim3A_23 = vector.shape_cast %convert_element_type3A_22 : vector<2048xi16> to vector<2048x1xi16>
    %jit3A = arith.constant 6 : i32
    %div3A = vector.broadcast %jit3A : i32 to vector<2048xi32>
    %div3A_24 = arith.divsi %get3A_21, %div3A : vector<2048xi32>
    %sign3A = arith.constant 0 : i32
    %sign3A_25 = vector.broadcast %sign3A : i32 to vector<2048xi32>
    %sign3A_26 = arith.cmpi sgt, %get3A_21, %sign3A_25 : vector<2048xi32>
    %sign3A_27 = arith.extui %sign3A_26 : vector<2048xi1> to vector<2048xi32>
    %sign3A_28 = arith.constant 0 : i32
    %sign3A_29 = vector.broadcast %sign3A_28 : i32 to vector<2048xi32>
    %sign3A_30 = arith.cmpi slt, %get3A_21, %sign3A_29 : vector<2048xi32>
    %sign3A_31 = arith.extui %sign3A_30 : vector<2048xi1> to vector<2048xi32>
    %sign3A_32 = arith.subi %sign3A_27, %sign3A_31 : vector<2048xi32>
    %sign3A_33 = arith.constant 0 : i32
    %sign3A_34 = arith.cmpi sgt, %jit3A, %sign3A_33 : i32
    %sign3A_35 = arith.extui %sign3A_34 : i1 to i32
    %sign3A_36 = arith.constant 0 : i32
    %sign3A_37 = arith.cmpi slt, %jit3A, %sign3A_36 : i32
    %sign3A_38 = arith.extui %sign3A_37 : i1 to i32
    %sign3A_39 = arith.subi %sign3A_35, %sign3A_38 : i32
    %ne3A = vector.broadcast %sign3A_39 : i32 to vector<2048xi32>
    %ne3A_40 = arith.cmpi ne, %sign3A_32, %ne3A : vector<2048xi32>
    %rem3A = vector.broadcast %jit3A : i32 to vector<2048xi32>
    %rem3A_41 = arith.remsi %get3A_21, %rem3A : vector<2048xi32>
    %ne3A_42 = arith.constant 0 : i32
    %ne3A_43 = vector.broadcast %ne3A_42 : i32 to vector<2048xi32>
    %ne3A_44 = arith.cmpi ne, %rem3A_41, %ne3A_43 : vector<2048xi32>
    %and3A = arith.andi %ne3A_40, %ne3A_44 : vector<2048xi1>
    %sub3A_45 = arith.constant 1 : i32
    %sub3A_46 = vector.broadcast %sub3A_45 : i32 to vector<2048xi32>
    %sub3A_47 = arith.subi %div3A_24, %sub3A_46 : vector<2048xi32>
    %select_n3A = arith.select %and3A, %sub3A_47, %div3A_24 : vector<2048xi1>, vector<2048xi32>
    %convert_element_type3A_48 = arith.trunci %select_n3A : vector<2048xi32> to vector<2048xi8>
    %broadcast_in_dim3A_49 = vector.shape_cast %convert_element_type3A_48 : vector<2048xi8> to vector<2048x1xi8>
    %get3A_50 = arith.constant 0 : index
    %get3A_51 = arith.constant 0 : index
    %get3A_52 = vector.load %arg9[%get3A_50, %get3A_51] : memref<2048x640xi8, #tpu.memory_space<vmem>>, vector<2048x640xi8>
    %eq3A_53 = vector.broadcast %broadcast_in_dim3A_49 : vector<2048x1xi8> to vector<2048x640xi8>
    %eq3A_54 = arith.cmpi eq, %eq3A_53, %get3A_52 : vector<2048x640xi8>
    %get3A_55 = arith.constant 0 : index
    %get3A_56 = arith.constant 0 : index
    %get3A_57 = vector.load %arg8[%get3A_55, %get3A_56] : memref<2048x640xi16, #tpu.memory_space<vmem>>, vector<2048x640xi16>
    %ne3A_58 = vector.broadcast %broadcast_in_dim3A_23 : vector<2048x1xi16> to vector<2048x640xi16>
    %ne3A_59 = arith.cmpi ne, %ne3A_58, %get3A_57 : vector<2048x640xi16>
    %and3A_60 = arith.andi %eq3A_54, %ne3A_59 : vector<2048x640xi1>
    %jit3A_61 = arith.constant 1.000260e+30 : bf16
    %broadcast_in_dim3A_62 = vector.broadcast %jit3A_61 : bf16 to vector<2048x640xbf16>
    %select_n3A_63 = arith.select %and3A_60, %sub3A_16, %broadcast_in_dim3A_62 : vector<2048x640xi1>, vector<2048x640xbf16>
    %reshape3A = vector.shape_cast %select_n3A_63 : vector<2048x640xbf16> to vector<128x16x640xbf16>
    %reduce_min3A = arith.constant dense<0x7F80> : vector<16x640xbf16>
    %reduce_min3A_64 = vector.multi_reduction <minimumf>, %reshape3A, %reduce_min3A [0] : vector<128x16x640xbf16> to vector<16x640xbf16>
    %get3A_65 = arith.constant 0 : index
    %get3A_66 = arith.constant 0 : index
    %get3A_67 = vector.load %arg7[%get3A_65, %get3A_66] : memref<16x640xbf16, #tpu.memory_space<vmem>>, vector<16x640xbf16>
    %min3A = arith.minimumf %get3A_67, %reduce_min3A_64 : vector<16x640xbf16>
    %swap3A = arith.constant 0 : index
    %swap3A_68 = arith.constant 0 : index
    %swap3A_69 = vector.load %arg7[%swap3A, %swap3A_68] : memref<16x640xbf16, #tpu.memory_space<vmem>>, vector<16x640xbf16>
    tpu.vector_store %arg7[%swap3A, %swap3A_68], %min3A {strides = array<i32>} : memref<16x640xbf16, #tpu.memory_space<vmem>>, vector<16x640xbf16>,
    %eq3A_70 = arith.constant 7 : i32
    %eq3A_71 = arith.cmpi eq, %arg0, %eq3A_70 : i32
    %convert_element_type3A_72 = arith.extui %eq3A_71 : i1 to i32
    %cond3A_73 = arith.constant 0 : i32
    %cond3A_74 = arith.cmpi ne, %convert_element_type3A_72, %cond3A_73 : i32
    scf.if %cond3A_74 {
      %get3A_75 = arith.constant 0 : index
      %get3A_76 = arith.constant 0 : index
      %get3A_77 = vector.load %arg3[%get3A_75, %get3A_76] : memref<640x256xf32, #tpu.memory_space<vmem>>, vector<640x256xf32>
      %get3A_78 = arith.constant 0 : index
      %get3A_79 = arith.constant 0 : index
      %get3A_80 = vector.load %arg4[%get3A_78, %get3A_79] : memref<640x256xf32, #tpu.memory_space<vmem>>, vector<640x256xf32>
      %mul3A_81 = arith.mulf %get3A_77, %get3A_77 : vector<640x256xf32>
      %reduce_sum3A_82 = arith.constant dense<0.000000e+00> : vector<640xf32>
      %reduce_sum3A_83 = vector.multi_reduction <add>, %mul3A_81, %reduce_sum3A_82 [1] : vector<640x256xf32> to vector<640xf32>
      %get3A_84 = arith.constant 0 : index
      %get3A_85 = arith.constant 0 : index
      %get3A_86 = vector.load %arg7[%get3A_84, %get3A_85] : memref<16x640xbf16, #tpu.memory_space<vmem>>, vector<16x640xbf16>
      %reduce_min3A_87 = arith.constant dense<0x7F80> : vector<640xbf16>
      %reduce_min3A_88 = vector.multi_reduction <minimumf>, %get3A_86, %reduce_min3A_87 [0] : vector<16x640xbf16> to vector<640xbf16>
      %convert_element_type3A_89 = arith.extf %reduce_min3A_88 : vector<640xbf16> to vector<640xf32>
      %add3A = arith.addf %convert_element_type3A_89, %reduce_sum3A_83 : vector<640xf32>
      %max3A = arith.constant 0.000000e+00 : f32
      %max3A_90 = vector.broadcast %max3A : f32 to vector<640xf32>
      %max3A_91 = arith.maximumf %add3A, %max3A_90 : vector<640xf32>
      %sqrt3A = math.sqrt %max3A_91 : vector<640xf32>
      %sub3A_92 = arith.subf %get3A_77, %get3A_80 : vector<640x256xf32>
      %add3A_93 = arith.constant 9.99999997E-7 : f32
      %add3A_94 = vector.broadcast %add3A_93 : f32 to vector<640x256xf32>
      %add3A_95 = arith.addf %sub3A_92, %add3A_94 : vector<640x256xf32>
      %mul3A_96 = arith.mulf %add3A_95, %add3A_95 : vector<640x256xf32>
      %reduce_sum3A_97 = arith.constant dense<0.000000e+00> : vector<640xf32>
      %reduce_sum3A_98 = vector.multi_reduction <add>, %mul3A_96, %reduce_sum3A_97 [1] : vector<640x256xf32> to vector<640xf32>
      %sqrt3A_99 = math.sqrt %reduce_sum3A_98 : vector<640xf32>
      %get3A_100 = arith.constant 0 : index
      %get3A_101 = vector.load %arg5[%get3A_100] : memref<640xi32, #tpu.memory_space<vmem>>, vector<640xi32>
      %gt3A = arith.constant 0 : i32
      %gt3A_102 = vector.broadcast %gt3A : i32 to vector<640xi32>
      %gt3A_103 = arith.cmpi sgt, %get3A_101, %gt3A_102 : vector<640xi32>
      %lt3A = arith.constant 1.000000e+29 : f32
      %lt3A_104 = vector.broadcast %lt3A : f32 to vector<640xf32>
      %lt3A_105 = arith.cmpf olt, %convert_element_type3A_89, %lt3A_104 : vector<640xf32>
      %and3A_106 = arith.andi %gt3A_103, %lt3A_105 : vector<640xi1>
      %sub3A_107 = arith.subf %sqrt3A_99, %sqrt3A : vector<640xf32>
      %add3A_108 = arith.constant 1.000000e+00 : f32
      %add3A_109 = vector.broadcast %add3A_108 : f32 to vector<640xf32>
      %add3A_110 = arith.addf %sub3A_107, %add3A_109 : vector<640xf32>
      %max3A_111 = arith.constant 0.000000e+00 : f32
      %max3A_112 = vector.broadcast %max3A_111 : f32 to vector<640xf32>
      %max3A_113 = arith.maximumf %add3A_110, %max3A_112 : vector<640xf32>
      %jit3A_114 = arith.constant 0.000000e+00 : f32
      %broadcast_in_dim3A_115 = vector.broadcast %jit3A_114 : f32 to vector<640xf32>
      %select_n3A_116 = arith.select %and3A_106, %max3A_113, %broadcast_in_dim3A_115 : vector<640xi1>, vector<640xf32>
      %reduce_sum3A_117 = vector.shape_cast %select_n3A_116 : vector<640xf32> to vector<1x640xf32>
      %reduce_sum3A_118 = arith.constant dense<0.000000e+00> : vector<1xf32>
      %reduce_sum3A_119 = vector.multi_reduction <add>, %reduce_sum3A_117, %reduce_sum3A_118 [1] : vector<1x640xf32> to vector<1xf32>
      %reduce_sum3A_120 = vector.shape_cast %reduce_sum3A_119 : vector<1xf32> to vector<1x1xf32>
      %reduce_sum3A_121 = vector.extract %reduce_sum3A_120[0, 0] : f32 from vector<1x1xf32>
      %convert_element_type3A_122 = arith.extui %and3A_106 : vector<640xi1> to vector<640xi32>
      %convert_element_type3A_123 = arith.sitofp %convert_element_type3A_122 : vector<640xi32> to vector<640xf32>
      %reduce_sum3A_124 = vector.shape_cast %convert_element_type3A_123 : vector<640xf32> to vector<1x640xf32>
      %reduce_sum3A_125 = arith.constant dense<0.000000e+00> : vector<1xf32>
      %reduce_sum3A_126 = vector.multi_reduction <add>, %reduce_sum3A_124, %reduce_sum3A_125 [1] : vector<1x640xf32> to vector<1xf32>
      %reduce_sum3A_127 = vector.shape_cast %reduce_sum3A_126 : vector<1xf32> to vector<1x1xf32>
      %reduce_sum3A_128 = vector.extract %reduce_sum3A_127[0, 0] : f32 from vector<1x1xf32>
      %gt3A_129 = arith.constant 0.000000e+00 : f32
      %gt3A_130 = arith.cmpf ogt, %reduce_sum3A_128, %gt3A_129 : f32
      %max3A_131 = arith.constant 1.000000e+00 : f32
      %max3A_132 = arith.maximumf %reduce_sum3A_128, %max3A_131 : f32
      %div3A_133 = arith.divf %reduce_sum3A_121, %max3A_132 : f32
      %jit3A_134 = arith.constant 0.000000e+00 : f32
      %select_n3A_135 = arith.select %gt3A_130, %div3A_133, %jit3A_134 : f32
      %broadcast_in_dim3A_136 = vector.broadcast %select_n3A_135 : f32 to vector<1x1xf32>
      %swap3A_137 = arith.constant 0 : index
      %swap3A_138 = arith.constant 0 : index
      %swap3A_139 = vector.load %arg6[%swap3A_137, %swap3A_138] : memref<1x1xf32, #tpu.memory_space<vmem>>, vector<1x1xf32>
      tpu.vector_store %arg6[%swap3A_137, %swap3A_138], %broadcast_in_dim3A_136 {strides = array<i32>} : memref<1x1xf32, #tpu.memory_space<vmem>>, vector<1x1xf32>,
    } else {
    }
    return
  }
  func.func @transform_0(%arg0: i32) -> (i32, i32) {
    %c0_i32 = arith.constant 0 : i32
    %c0_i32_0 = arith.constant 0 : i32
    return %arg0, %c0_i32 : i32, i32
  }
  func.func @transform_1(%arg0: i32) -> (i32, i32, i32) {
    %c0_i32 = arith.constant 0 : i32
    %c0_i32_0 = arith.constant 0 : i32
    %c0_i32_1 = arith.constant 0 : i32
    return %arg0, %c0_i32, %c0_i32_0 : i32, i32, i32
  }
  func.func @transform_2(%arg0: i32) -> (i32, i32) {
    %c0_i32 = arith.constant 0 : i32
    %c0_i32_0 = arith.constant 0 : i32
    %c0_i32_1 = arith.constant 0 : i32
    return %c0_i32, %c0_i32_0 : i32, i32
  }
  func.func @transform_3(%arg0: i32) -> (i32, i32) {
    %c1_i32 = arith.constant 1 : i32
    %c0_i32 = arith.constant 0 : i32
    %c0_i32_0 = arith.constant 0 : i32
    return %c1_i32, %c0_i32 : i32, i32
  }
  func.func @transform_4(%arg0: i32) -> i32 {
    %c0_i32 = arith.constant 0 : i32
    %c0_i32_0 = arith.constant 0 : i32
    return %c0_i32 : i32
  }
  func.func @transform_5(%arg0: i32) -> (i32, i32) {
    %c0_i32 = arith.constant 0 : i32
    %c0_i32_0 = arith.constant 0 : i32
    %c0_i32_1 = arith.constant 0 : i32
    return %c0_i32, %c0_i32_0 : i32, i32
  }
}

</mosaic_0001>

<sc_bundles>
// kernel: kernel.4.cloned.1.call-start
scs
__scs_entry_jumppad:
0x0: {  	(pc) =	sbr.rel $0x88, $3  }
0x1: {  	(tag) =	ssettag $0x0;
	lr =	simm.s32 $0x1  }
0x2: {  	[smem:$0x3F9E] =	sst lr;
	_ =	strace $0xD0000000  }
0x3: {  	_ = 	snop  }
0x4: {  	_ = 	snop  }
0x5: {  	_ = 	snop  }
0x6: {  	_ = 	snop  }
0x7: {  	_ = 	snop  }
__scs_overlays_trampoline_lowered:
0x8: {  	[smem:$0x3FAD] =	sst s0  }
0x9: {  	[smem:$0x3FAE] =	sst s1  }
0xa: {  	[smem:$0x3FAF] =	sst s2  }
0xb: {  	[smem:$0x3FB0] =	sst s3  }
0xc: {  	[smem:$0x3FB1] =	sst s4  }
0xd: {  	[smem:$0x3FB2] =	sst s5  }
0xe: {  	[smem:$0x3FB3] =	sst s6  }
0xf: {  	[smem:$0x3FB4] =	sst s7  }
0x10: {  	[smem:$0x3FB5] =	sst s8  }
0x11: {  	[smem:$0x3FB6] =	sst s9;
	s0 =	simm.s32 @!p0 $0x0  }
0x12: {  	s1 =	sld [smem:$0x3F9C];
	s0 =	simm.s32 @p0 $0x1  }
0x13: {  	[smem:$0x3FB7] =	sst s0;
	s0 =	simm.s32 @!p1 $0x0  }
0x14: {  	s2 =	sld [smem:$0x3F9B];
	s0 =	simm.s32 @p1 $0x1  }
0x15: {  	[smem:$0x3FB8] =	sst s0;
	s0 =	simm.s32 @!p2 $0x0  }
0x16: {  	s3 =	sld [smem:$0x3FDB];
	s0 =	simm.s32 @p2 $0x1  }
0x17: {  	s4 =	simm.s32 $0x1BF5;
	[smem:$0x3FBA] =	sst s0  }
0x18: {  	s0 =	sld [smem:$0x3F9D];
	_ =	swait.ge [sflag:s4], $0x0  }
0x19: {  	s7 =	sld [smem:$0x3F9E]  }
0x1a: {  	s8 =	sadd.s32 $0xFFFFE003, lr  }
0x1b: {  	s9 =	sadd.s32 $0xFFFFFEF7, lr;
	s5 =	simm.s32 $0xFFFFFFFF;
	p2 =	slt.u32 s8, $0xFFFFF086  }
0x1c: {  	p1 =	slt.u32 s9, $0xF7A;
	s5 =	simm.s32 @!p2 $0x0  }
0x1d: {  	s5 =	simm.s32 @p1 $0x1;
	p0 =	seq.s32 s7, s2  }
0x1e: {  	s7 =	smul.u32 @!p0 $0xF7A, s2;
	p2 =	seq.s32 @!p0 s5, $0x0  }
0x1f: {  	s9 =	smul.u32 $0xF7A, s1;
	s8 =	simm.s32 @!p0 $0x1BF5;
	p2 =	por !p2, p0  }
0x20: {  	[sflag:s8] =	ssyncset.s32 @!p0 $0xFFFFF086;
	s6 =	sadd.s32 @!p0 s3, s7;
	s7 =	simm.s32 @!p0 $0x108  }
0x21: {  	s3 =	sadd.s32 s3, s9;
	s6 =	sadd.s32 @!p0 $0x88, s6;
	s7 =	simm.s32 @p2 $0x1082  }
0x22: {  	[simem:s7], [sflag:s8] =	dma.local @!p0 [hbm:s6], $0xF7A  }
0x23: {  	s9 =	sor.u32 $0xD0000000, s2;
	s6 =	simm.s32 $0x108;
	_ =	swait.ge @!p0 [sflag:s8], $0x0  }
0x24: {  	s3 =	sadd.s32 $0x88, s3;
	s6 =	simm.s32 @!p1 $0x1082;
	[sflag:s4] =	ssyncset.s32 $0xFFFFF086  }
0x25: {  	[simem:s6], [sflag:s4] =	dma.local [hbm:s3], $0xF7A  }
0x26: {  	[smem:$0x3F9E] =	sst s1;
	(tag) =	ssettag s2;
	_ =	strace s9  }
0x27: {  	s1 =	sld [smem:$0x3FAE]  }
0x28: {  	s2 =	sld [smem:$0x3FAF]  }
0x29: {  	s4 =	sld [smem:$0x3FB1]  }
0x2a: {  	p0 =	seq.s32 s5, $0x0;
	s5 =	sld [smem:$0x3FB2]  }
0x2b: {  	s6 =	sld [smem:$0x3FB3]  }
0x2c: {  	s7 =	sld [smem:$0x3FB4]  }
0x2d: {  	s3 =	simm.s32 $0x108;
	s8 =	sld [smem:$0x3FB5]  }
0x2e: {  	s3 =	simm.s32 @!p0 $0x1082;
	s9 =	sld [smem:$0x3FB6]  }
0x2f: {  	lr =	sadd.s32 s0, s3;
	s0 =	sld [smem:$0x3FAD]  }
0x30: {  	s3 =	sld [smem:$0x3FB0]  }
0x31: {  	[smem:$0x3FB9] =	sst s10  }
0x32: {  	s10 =	sld [smem:$0x3FB7];
	_ =	sdelay $0x3  }
0x33: {  	p0 =	seq.s32 s10, $0x1;
	s10 =	sld [smem:$0x3FB9];
	_ =	sdelay $0x3  }
0x34: {  	[smem:$0x3FB9] =	sst s10  }
0x35: {  	s10 =	sld [smem:$0x3FB8];
	_ =	sdelay $0x3  }
0x36: {  	p1 =	seq.s32 s10, $0x1;
	s10 =	sld [smem:$0x3FB9];
	_ =	sdelay $0x3  }
0x37: {  	[smem:$0x3FB9] =	sst s10  }
0x38: {  	s10 =	sld [smem:$0x3FBA]  }
0x39: {  	_ = 	snop;
	(pc) =	sbr.ind lr, $3  }
0x3a: {  	_ = 	snop  }
0x3b: {  	_ = 	snop  }
0x3c: {  	p2 =	seq.s32 s10, $0x1;
	s10 =	sld [smem:$0x3FB9]  }
0x3d: {  	_ =	shalt  }
0x3e: {  	_ =	shalt  }
0x3f: {  	_ =	shalt  }
0x40: {  	_ =	shalt  }
0x41: {  	_ =	shalt  }
0x42: {  	_ =	shalt  }
0x43: {  	_ =	shalt  }
0x44: {  	_ =	shalt  }
0x45: {  	_ =	shalt  }
0x46: {  	_ =	shalt  }
0x47: {  	_ =	shalt  }
0x48: {  	_ =	shalt  }
0x49: {  	_ =	shalt  }
0x4a: {  	_ =	shalt  }
0x4b: {  	_ =	shalt  }
0x4c: {  	_ =	shalt  }
0x4d: {  	_ =	shalt  }
0x4e: {  	_ =	shalt  }
0x4f: {  	_ =	shalt  }
0x50: {  	_ =	shalt  }
0x51: {  	_ =	shalt  }
0x52: {  	_ =	shalt  }
0x53: {  	_ =	shalt  }
0x54: {  	_ =	shalt  }
0x55: {  	_ =	shalt  }
0x56: {  	_ =	shalt  }
0x57: {  	_ =	shalt  }
0x58: {  	_ =	shalt  }
0x59: {  	_ =	shalt  }
0x5a: {  	_ =	shalt  }
0x5b: {  	_ =	shalt  }
0x5c: {  	_ =	shalt  }
0x5d: {  	_ =	shalt  }
0x5e: {  	_ =	shalt  }
0x5f: {  	_ =	shalt  }
0x60: {  	_ =	shalt  }
0x61: {  	_ =	shalt  }
0x62: {  	_ =	shalt  }
0x63: {  	_ =	shalt  }
0x64: {  	_ =	shalt  }
0x65: {  	_ =	shalt  }
0x66: {  	_ =	shalt  }
0x67: {  	_ =	shalt  }
0x68: {  	_ =	shalt  }
0x69: {  	_ =	shalt  }
0x6a: {  	_ =	shalt  }
0x6b: {  	_ =	shalt  }
0x6c: {  	_ =	shalt  }
0x6d: {  	_ =	shalt  }
0x6e: {  	_ =	shalt  }
0x6f: {  	_ =	shalt  }
0x70: {  	_ =	shalt  }
0x71: {  	_ =	shalt  }
0x72: {  	_ =	shalt  }
0x73: {  	_ =	shalt  }
0x74: {  	_ =	shalt  }
0x75: {  	_ =	shalt  }
0x76: {  	_ =	shalt  }
0x77: {  	_ =	shalt  }
0x78: {  	_ =	shalt  }
0x79: {  	_ =	shalt  }
0x7a: {  	_ =	shalt  }
0x7b: {  	_ =	shalt  }
0x7c: {  	_ =	shalt  }
0x7d: {  	_ =	shalt  }
0x7e: {  	_ =	shalt  }
0x7f: {  	_ =	shalt  }
0x80: {  	_ =	shalt  }
0x81: {  	_ =	shalt  }
0x82: {  	_ =	shalt  }
0x83: {  	_ =	shalt  }
0x84: {  	_ =	shalt  }
0x85: {  	_ =	shalt  }
0x86: {  	_ =	shalt  }
0x87: {  	_ =	shalt  }
.Lfunc_end0:
.L_simem_size_0:
called_computation_lowered:
.L_overlay_start_0:
0x88: {  	s2 =	sld [smem:$0x3FD9]  }
0x89: {  	s3 =	sld [smem:$0x3FFE];
	_ =	sdelay $0x1  }
0x8a: {  	s1 =	srdreg.scid  }
0x8b: {  	s0 =	sand.u32 $0x1, s1  }
0x8c: {  	s17 =	sshll.u32 s0, $0xA;
	s2 =	sadd.s32 s3, s2  }
0x8d: {  	s2 =	sadd.s32 s2, s17  }
0x8e: {  	[smem:$0x3FC5] =	sst s2  }
0x8f: {  	_ = 	snop  }
0x90: {  	s2 =	sld [smem:$0x3FC9];
	(tm) =	ssettm $0x1  }
0x91: {  	s18 =	sld [smem:$0x3FFB];
	_ =	sdelay $0x3  }
0x92: {  	_ =	strace s18  }
0x93: {  	s3 =	sld [smem:$0x3FFC];
	_ =	sdelay $0x3  }
0x94: {  	_ =	strace s3  }
0x95: {  	s3 =	sld [smem:$0x3FFD];
	_ =	sdelay $0x3  }
0x96: {  	_ =	strace s3  }
0x97: {  	_ =	strace $0x8FFFFFFF  }
0x98: {  	s19 =	sld [smem:$0x3FDB];
	_ =	sdelay $0x1  }
0x99: {  	s4 =	simm.s32 $_scs_section_size  }
0x9a: {  	s5 =	simm.s32 $_size__tile_overlayer_lowered;
	s6 =	simm.s32 $_tile_overlayer_lowered  }
0x9b: {  	s22 =	simm.s32 $0x1BFF;
	s21 =	sshll.u32 s6, $0x1;
	s3 =	sadd.s32 s4, s19  }
0x9c: {  	s7 =	simm.s32 $0x0;
	s20 =	sshll.u32 s5, $0x1;
	s5 =	sadd.s32 s21, s3  }
0x9d: {  	[timem:s7], [sflag:s22] =	dma.local [hbm:s5], s20  }
0x9e: {  	_ =	swait.ge [sflag:s22], s20  }
0x9f: {  	s4 =	ssub.s32 $0x0, s20;
	[sflag:s22] =	ssyncset.done $0x0  }
0xa0: {  	[sflag:s22] =	ssyncadd.s32 s4;
	_ =	sdelay $0x1  }
0xa1: {  	s23 =	simm.s32 $0x1B8B  }
0xa2: {  	_ =	swait.ge [sflag:s23], $0x1  }
0xa3: {  	[sflag:s23] =	ssyncset.done $0x0  }
0xa4: {  	s25 =	simm.s32 $0x1B8E;
	s24 =	sld [smem:$0x3FFE];
	[sflag:s23] =	ssyncadd.s32 $0xFFFFFFFF  }
0xa5: {  	s26 =	simm.s32 $execute0_lowered;
	[smem:$0x3FD2] =	sst s25  }
0xa6: {  	s5 =	sshll.u32 s26, $0x1;
	_ =	strace $0x80000046;
	[dreg:$0x1] =	wrdreg $0xFFFFFFFF  }
0xa7: {  	s28 =	simm.s32 $_size_execute0_lowered;
	s3 =	sadd.s32 s3, s5;
	[dreg:$0x0] =	wrdreg $0x0  }
0xa8: {  	s5 =	sshll.u32 s28, $0x1;
	[dreg:$0x2] =	wrdreg s3  }
0xa9: {  	[dreg:$0x3] =	wrdreg s5  }
0xaa: {  	[dreg:$0x4] =	wrdreg $0xC0  }
0xab: {  	_ =	task [dreg:s7], $0x5FFFF  }
0xac: {  	[dreg:$0x1] =	wrdreg $0xFFFFFFFF  }
0xad: {  	[dreg:$0x0] =	wrdreg $0x60  }
0xae: {  	[dreg:$0x2] =	wrdreg s2  }
0xaf: {  	[dreg:$0x3] =	wrdreg s24  }
0xb0: {  	[dreg:$0x4] =	wrdreg $0xD7000  }
0xb1: {  	[dreg:$0x5] =	wrdreg $0x9  }
0xb2: {  	_ =	task.clear_ibuf [dreg:s7], $0x6FFFF;
	_ =	strace $0x90000046  }
0xb3: {  	s29 =	simm.s32 $0x9;
	_ =	strace $0x80000048  }
0xb4: {  	_ =	swait.ge [sflag:s29], $0x1  }
0xb5: {  	[sflag:s29] =	ssyncadd.s32 $0xFFFFFFFF  }
0xb6: {  	_ =	strace $0x90000048  }
0xb7: {  	_ =	sfence  }
0xb8: {  	s30 =	sld [smem:$0x0];
	_ =	sdelay $0x2  }
0xb9: {  	s31 =	sshll.u32 s1, $0xD;
	s1 =	sshrl.u32 s1, $0x2  }
0xba: {  	s3 =	sand.u32 $0x4000, s31;
	s1 =	sadd.s32 s1, s30  }
0xbb: {  	s0 =	sor.u32 s3, s0;
	s1 =	sshll.u32 s1, $0x11  }
0xbc: {  	s0 =	sor.u32 s1, s0  }
0xbd: {  	s0 =	sadd.s32 $0x8F2B, s0  }
0xbe: {  	[sflag:s0] =	ssyncadd.remote.s32 $0x1  }
0xbf: {  	_ =	sfence.sel $0xFFFF  }
0xc0: {  	[dreg:$0x0] =	wrdreg $0xFFFFFFFF;
	(pc) =	sbr.abs _section_cstart, $3  }
0xc1: {  	[dreg:$0x1] =	wrdreg $0xFFFFFFFF  }
0xc2: {  	_ =	task.clear_ibuf [dreg:s7], $0x2FFFF;
	_ =	strace $0x9FFFFFFF  }
0xc3: {  	(tm) =	ssettm $0x7FFFFFFF  }
tec
execute0_lowered:
.L_overlay_start_1:
0x0: {  	(tag) =	ssettag $0x1  }
0x1: {  	s2 =	rddreg [dreg:$0x0]  }
0x2: {  	s6 =	rddreg [dreg:$0x1]  }
0x3: {  	s3 =	rddreg [dreg:$0x2]  }
0x4: {  	s0 =	stileid.u32;
	s5 =	srdreg.scid  }
0x5: {  	s4 =	simm.s32 $0x0;
	s15 =	simm.s32 $0x400;
	s16 =	simm.s32 $0x2D00  }
0x6: {  	s18 =	simm.s32 $0x5900;
	s19 =	simm.s32 $0x5C00;
	s20 =	simm.s32 $0xAF00  }
0x7: {  	s21 =	simm.s32 $0xB700;
	s22 =	simm.s32 $0xBF00;
	s23 =	simm.s32 $0xC700  }
0x8: {  	s24 =	simm.s32 $0xCF00;
	s25 =	simm.s32 $0x1;
	s7 =	smul.u32 $0x2800, s0  }
0x9: {  	s26 =	simm.s32 $0x0;
	s17 =	sand.u32 $0x1, s5;
	s5 =	smul.u32 $0x28, s0  }
0xa: {  	[smem:$0x7FF] =	sst s4;
	s29 =	sshll.u32 s0, $0x7;
	s9 =	smul.u32 $0xA40, s0  }
0xb: {  	p0 =	seq.s32 s17, $0x0;
	_ =	strace $0x80000047;
	s10 =	sadd.s32 s29, s6  }
0xc: {  	s30 =	ssub.s32 $0x2, s17;
	p1 =	sne.s32 s17, $0x0;
	s17 =	simm.s32 $0x5600  }
0xd: {  	s8 =	sadd.s32 $0x28000, s7;
	s31 =	sshrl.u32 s5, $0x3;
	s12 =	sshrl.u32 s30, $0x1  }
0xe: {  	s9 =	sshrl.u32 s9, $0x2;
	s8 =	smov.u32 @p0 s7;
	s13 =	sadd.s32 s31, s6  }
0xf: {  	s14 =	ssub.s32 s30, s12;
	s7 =	sshll.u32 s0, $0xA;
	s8 =	sshrl.u32 s8, $0x3  }
0x10: {  	s12 =	sadd.s32 $0xB800, s13;
	s13 =	smax.u32 s14, $0x1;
	s14 =	simm.s32 $0x2  }
0x11: {  	v0 =	vlaneseq.u32;
	s11 =	sadd.s32 s8, s6;
	s6 =	sadd.s32 s9, s3;
	s8 =	sadd.s32 $0x1000, s10  }
0x12: {  	v1 =	vimm.s32 $0x40000000;
	v3 =	vimm.s32 $0x0;
	v2 =	vmul.u32 $0x290, v0;
	s10 =	sor.u32 $0x8000, s5;
	s9 =	sadd.s32 $0x2900, s6;
	s11 =	sadd.s32 $0x1800, s11  }
.LBB2_1:
0x13: {  	s28 =	simm.s32 $0x0;
	s29 =	simm.s32 $0x200  }
.LBB2_2:
0x14: {  	p2 =	sne.s32 s29, $0xA200;
	[tilespmem:s28+$0x2D70] =	vst v1  }
0x15: {  	[tilespmem:s28+$0x400] =	vst v1  }
0x16: {  	[tilespmem:s28+$0x2D00] =	vst v1  }
0x17: {  	[tilespmem:s28+$0x410] =	vst v1  }
0x18: {  	[tilespmem:s28+$0x2D10] =	vst v1  }
0x19: {  	[tilespmem:s28+$0x420] =	vst v1  }
0x1a: {  	[tilespmem:s28+$0x2D20] =	vst v1  }
0x1b: {  	[tilespmem:s28+$0x430] =	vst v1  }
0x1c: {  	[tilespmem:s28+$0x2D30] =	vst v1  }
0x1d: {  	[tilespmem:s28+$0x440] =	vst v1  }
0x1e: {  	[tilespmem:s28+$0x2D40] =	vst v1  }
.Ltmp0:
0x1f: {  	[tilespmem:s28+$0x450] =	vst v1;
	(pc) =	sbr.rel @p2 .LBB2_2-.Ltmp0, $4  }
0x20: {  	[tilespmem:s28+$0x2D50] =	vst v1  }
0x21: {  	[tilespmem:s28+$0x460] =	vst v1  }
0x22: {  	[tilespmem:s28+$0x2D60] =	vst v1  }
0x23: {  	[tilespmem:s28+$0x470] =	vst v1;
	s28 =	sshra.s32 s29, $0x2;
	s29 =	sadd.s32 $0x200, s29  }
0x24: {  	[tilespmem:s28+$0x2D70] =	vst v1  }
0x25: {  	[tilespmem:s28+$0x400] =	vst v1  }
0x26: {  	[tilespmem:s28+$0x2D00] =	vst v1  }
0x27: {  	[tilespmem:s28+$0x410] =	vst v1  }
0x28: {  	[tilespmem:s28+$0x2D10] =	vst v1  }
0x29: {  	[tilespmem:s28+$0x420] =	vst v1  }
0x2a: {  	[tilespmem:s28+$0x2D20] =	vst v1  }
0x2b: {  	[tilespmem:s28+$0x430] =	vst v1  }
0x2c: {  	[tilespmem:s28+$0x2D30] =	vst v1  }
0x2d: {  	[tilespmem:s28+$0x440] =	vst v1  }
0x2e: {  	[tilespmem:s28+$0x2D40] =	vst v1  }
0x2f: {  	[tilespmem:s28+$0x450] =	vst v1  }
0x30: {  	[tilespmem:s28+$0x2D50] =	vst v1  }
0x31: {  	[tilespmem:s28+$0x460] =	vst v1  }
0x32: {  	[tilespmem:s28+$0x2D60] =	vst v1  }
0x33: {  	[tilespmem:s28+$0x470] =	vst v1;
	s28 =	simm.s32 $0x0  }
0x34: {  	[tilespmem:s28], [sflag:$0x2] =	stream.linear.gather [hbm4b:s8+s28], $0x400, $0x38;
	[tilespmem:$0xDC20] =	vst v63  }
0x35: {  	_ =	swait.ge [sflag:s14], $0x400  }
0x36: {  	[sflag:s14] =	ssyncset.done $0x0  }
0x37: {  	s29 =	simm.s32 $0x20;
	s30 =	simm.s32 $0x0;
	[sflag:s14] =	ssyncadd.s32 $0xFFFFFC00  }
.LBB2_4:
0x38: {  	v4 =	vld [tilespmem:s29+$0xFFFFFFE0];
	_ =	sdelay $0x4  }
0x39: {  	v4 =	vadd.s32 v2, v4;
	_ =	sdelay $0x4  }
0x3a: {  	v5 =	vld.idx.msk [tilespmem:v4+s15+$0x0], $0xffff;
	_ =	sdelay $0x1  }
0x3b: {  	v6 =	vld.idx.msk [tilespmem:v4+s16+$0x0], $0xffff  }
0x3c: {  	s31 =	sadd.s32 s30, s7  }
0x3d: {  	v7 =	vor.u32 s31, v0  }
0x3e: {  	vm0 =	vgt.s32 v5, v7  }
0x3f: {  	v8 =	vsel vm0, v5, v7  }
0x40: {  	v5 =	vsel vm0, v7, v5;
	vm9 =	vlt.s32 v6, v8  }
0x41: {  	[tilespmem:v4+s15+$0x0] =	vst.idx.msk $0xffff, v5;
	v5 =	vsel vm9, v6, v8  }
0x42: {  	[tilespmem:v4+s16+$0x0] =	vst.idx.msk $0xffff, v5  }
0x43: {  	v4 =	vld [tilespmem:s29+$0xFFFFFFF0];
	_ =	sdelay $0x4  }
0x44: {  	v4 =	vadd.s32 v2, v4;
	_ =	sdelay $0x4  }
0x45: {  	v5 =	vld.idx.msk [tilespmem:v4+s15+$0x0], $0xffff;
	_ =	sdelay $0x1  }
0x46: {  	v55 =	vld.idx.msk [tilespmem:v4+s16+$0x0], $0xffff  }
0x47: {  	s1 =	sadd.s32 $0x10, s31  }
0x48: {  	v56 =	vor.u32 s1, v0  }
0x49: {  	vm10 =	vgt.s32 v5, v56  }
0x4a: {  	v57 =	vsel vm10, v5, v56  }
0x4b: {  	v5 =	vsel vm10, v56, v5;
	vm11 =	vlt.s32 v55, v57  }
0x4c: {  	[tilespmem:v4+s15+$0x0] =	vst.idx.msk $0xffff, v5;
	v5 =	vsel vm11, v55, v57  }
0x4d: {  	[tilespmem:v4+s16+$0x0] =	vst.idx.msk $0xffff, v5  }
0x4e: {  	v4 =	vld [tilespmem:s29+$0x0];
	_ =	sdelay $0x4  }
0x4f: {  	v4 =	vadd.s32 v2, v4;
	_ =	sdelay $0x4  }
0x50: {  	v5 =	vld.idx.msk [tilespmem:v4+s15+$0x0], $0xffff;
	_ =	sdelay $0x1  }
0x51: {  	v58 =	vld.idx.msk [tilespmem:v4+s16+$0x0], $0xffff  }
0x52: {  	s1 =	sadd.s32 $0x20, s31  }
0x53: {  	v59 =	vor.u32 s1, v0  }
0x54: {  	vm12 =	vgt.s32 v5, v59  }
0x55: {  	v60 =	vsel vm12, v5, v59  }
0x56: {  	v5 =	vsel vm12, v59, v5;
	vm13 =	vlt.s32 v58, v60  }
0x57: {  	[tilespmem:v4+s15+$0x0] =	vst.idx.msk $0xffff, v5;
	v5 =	vsel vm13, v58, v60  }
0x58: {  	[tilespmem:v4+s16+$0x0] =	vst.idx.msk $0xffff, v5  }
0x59: {  	v4 =	vld [tilespmem:s29+$0x10];
	_ =	sdelay $0x4  }
0x5a: {  	v4 =	vadd.s32 v2, v4;
	_ =	sdelay $0x4  }
0x5b: {  	v5 =	vld.idx.msk [tilespmem:v4+s15+$0x0], $0xffff;
	_ =	sdelay $0x1  }
0x5c: {  	v61 =	vld.idx.msk [tilespmem:v4+s16+$0x0], $0xffff  }
0x5d: {  	s31 =	sadd.s32 $0x30, s31  }
0x5e: {  	p2 =	sne.s32 s30, $0x3C0;
	v62 =	vor.u32 s31, v0  }
.Ltmp1:
0x5f: {  	vm14 =	vgt.s32 v5, v62;
	(pc) =	sbr.rel @p2 .LBB2_4-.Ltmp1, $4  }
0x60: {  	v63 =	vsel vm14, v5, v62  }
0x61: {  	v5 =	vsel vm14, v62, v5;
	vm15 =	vlt.s32 v61, v63  }
0x62: {  	[tilespmem:v4+s15+$0x0] =	vst.idx.msk $0xffff, v5;
	v5 =	vsel vm15, v61, v63  }
0x63: {  	s30 =	sadd.s32 $0x40, s30;
	s29 =	sadd.s32 $0x40, s29;
	[tilespmem:v4+s16+$0x0] =	vst.idx.msk $0xffff, v5  }
0x64: {  	s30 =	simm.s32 $0x0  }
0x65: {  	v4 =	vld [tilespmem:s30+$0x2D00]  }
0x66: {  	v5 =	vld [tilespmem:s30+$0x400]  }
0x67: {  	v6 =	vld [tilespmem:s30+$0x2F90]  }
0x68: {  	v7 =	vld [tilespmem:s30+$0x690];
	_ =	sdelay $0x2  }
0x69: {  	v8 =	vld [tilespmem:s30+$0x920];
	vm0 =	vlt.s32 v5, $0x40000000  }
0x6a: {  	v9 =	vld [tilespmem:s30+$0x3220];
	v5 =	vnsel vm0, $0x40000000, v5  }
0x6b: {  	vm0 =	vlt.s32 v4, v6;
	vm1 =	vlt.s32 v5, v7  }
0x6c: {  	v4 =	vsel vm0, v4, v6;
	v6 =	vsel vm1, v7, v5  }
0x6d: {  	v10 =	vld [tilespmem:s30+$0xBB0];
	vm0 =	vlt.s32 v4, v6  }
0x6e: {  	v5 =	vsel vm1, v5, v7;
	v4 =	vsel vm0, v4, v6;
	v6 =	vld [tilespmem:s30+$0x34B0]  }
0x6f: {  	vm0 =	vlt.s32 v5, v8;
	vm1 =	vlt.s32 v4, v9  }
0x70: {  	v7 =	vsel vm0, v8, v5;
	v4 =	vsel vm1, v4, v9  }
0x71: {  	v9 =	vld [tilespmem:s30+$0xE40];
	vm1 =	vlt.s32 v4, v7  }
0x72: {  	v5 =	vsel vm0, v5, v8;
	v4 =	vsel vm1, v4, v7;
	v7 =	vld [tilespmem:s30+$0x3740]  }
0x73: {  	vm0 =	vlt.s32 v5, v10;
	vm1 =	vlt.s32 v4, v6  }
0x74: {  	v8 =	vsel vm0, v10, v5;
	v4 =	vsel vm1, v4, v6  }
0x75: {  	v6 =	vld [tilespmem:s30+$0x10D0];
	vm1 =	vlt.s32 v4, v8  }
0x76: {  	v5 =	vsel vm0, v5, v10;
	v4 =	vsel vm1, v4, v8;
	v8 =	vld [tilespmem:s30+$0x39D0]  }
0x77: {  	vm0 =	vlt.s32 v5, v9;
	vm1 =	vlt.s32 v4, v7  }
0x78: {  	v10 =	vsel vm0, v9, v5;
	v4 =	vsel vm1, v4, v7  }
0x79: {  	v5 =	vsel vm0, v5, v9;
	v9 =	vld [tilespmem:s30+$0x3C60];
	vm1 =	vlt.s32 v4, v10  }
0x7a: {  	v7 =	vld [tilespmem:s30+$0x1360];
	v4 =	vsel vm1, v4, v10  }
0x7b: {  	vm0 =	vlt.s32 v5, v6;
	vm1 =	vlt.s32 v4, v8  }
0x7c: {  	v10 =	vsel vm0, v6, v5;
	v4 =	vsel vm1, v4, v8  }
0x7d: {  	v11 =	vld [tilespmem:s30+$0x15F0];
	vm1 =	vlt.s32 v4, v10  }
0x7e: {  	v5 =	vsel vm0, v5, v6;
	v8 =	vld [tilespmem:s30+$0x3EF0];
	v4 =	vsel vm1, v4, v10  }
0x7f: {  	vm0 =	vlt.s32 v5, v7;
	vm1 =	vlt.s32 v4, v9  }
0x80: {  	s1 =	sand.u32 $0x3F0, s28;
	v14 =	vld [tilespmem:s30+$0x4410];
	v6 =	vsel vm0, v7, v5;
	v9 =	vsel vm1, v4, v9  }
0x81: {  	v10 =	vld [tilespmem:s1+$0x1880];
	vm1 =	vlt.s32 v9, v6  }
0x82: {  	s29 =	simm.s32 $0x10;
	v5 =	vsel vm0, v5, v7;
	v7 =	vld [tilespmem:s1+$0x4180];
	v9 =	vsel vm1, v9, v6  }
0x83: {  	v13 =	vld [tilespmem:s29+$0x400];
	vm0 =	vlt.s32 v5, v11;
	vm1 =	vlt.s32 v9, v8  }
0x84: {  	v4 =	vld [tilespmem:s30+$0x1B10];
	v12 =	vsel vm0, v11, v5;
	v9 =	vsel vm1, v9, v8  }
0x85: {  	v6 =	vld [tilespmem:s29+$0x2D00];
	vm1 =	vlt.s32 v9, v12  }
0x86: {  	v11 =	vsel vm0, v5, v11;
	v8 =	vld [tilespmem:s29+$0x2F90];
	v9 =	vsel vm1, v9, v12  }
0x87: {  	vm1 =	vlt.s32 v11, v10;
	vm0 =	vlt.s32 v9, v7  }
0x88: {  	v12 =	vsel vm1, v10, v11;
	v7 =	vsel vm0, v9, v7;
	v9 =	vld [tilespmem:s29+$0x690]  }
0x89: {  	v5 =	vld [tilespmem:s30+$0x1DA0];
	v11 =	vsel vm1, v11, v10;
	vm2 =	vlt.s32 v7, v12  }
0x8a: {  	v10 =	vld [tilespmem:s30+$0x46A0];
	vm1 =	vlt.s32 v11, v4;
	v15 =	vsel vm2, v7, v12  }
0x8b: {  	vm0 =	vlt.s32 v6, v8;
	vm2 =	vlt.s32 v13, $0x40000000;
	v7 =	vld [tilespmem:s29+$0x920];
	vm3 =	vlt.s32 v15, v14  }
0x8c: {  	s31 =	simm.s32 $0x80;
	v12 =	vnsel vm2, $0x40000000, v13;
	v13 =	vsel vm1, v4, v11;
	v14 =	vsel vm3, v15, v14  }
.LBB2_6:
0x8d: {  	p2 =	sne.s32 s31, $0xA00;
	vm2 =	vlt.s32 v12, v9;
	v6 =	vsel vm0, v6, v8;
	vm0 =	vlt.s32 v14, v13;
	v8 =	vld [tilespmem:s30+$0x2030]  }
0x8e: {  	v4 =	vsel vm1, v11, v4;
	v15 =	vsel vm2, v12, v9;
	v13 =	vsel vm0, v14, v13;
	v11 =	vld [tilespmem:s30+$0x4930]  }
0x8f: {  	v9 =	vsel vm2, v9, v12;
	vm0 =	vlt.s32 v4, v5;
	v12 =	vld [tilespmem:s29+$0xBB0];
	vm1 =	vlt.s32 v13, v10  }
0x90: {  	v16 =	vsel vm0, v5, v4;
	v14 =	vld [tilespmem:s29+$0x3220];
	vm2 =	vlt.s32 v15, v7;
	v10 =	vsel vm1, v13, v10  }
0x91: {  	vm1 =	vlt.s32 v6, v9;
	v13 =	vsel vm2, v15, v7;
	vm3 =	vlt.s32 v10, v16;
	v17 =	vld [tilespmem:s30+$0x22C0]  }
0x92: {  	v4 =	vsel vm0, v4, v5;
	v7 =	vsel vm2, v7, v15;
	v10 =	vsel vm3, v10, v16;
	v5 =	vld [tilespmem:s30+$0x4BC0]  }
0x93: {  	v6 =	vsel vm1, v6, v9;
	vm0 =	vlt.s32 v4, v8;
	v9 =	vld [tilespmem:s29+$0xE40];
	vm1 =	vlt.s32 v10, v11  }
0x94: {  	v15 =	vsel vm0, v8, v4;
	vm2 =	vlt.s32 v13, v12;
	v10 =	vsel vm1, v10, v11;
	v11 =	vld [tilespmem:s30+$0x2550]  }
0x95: {  	vm1 =	vlt.s32 v6, v14;
	v16 =	vsel vm2, v13, v12;
	vm3 =	vlt.s32 v10, v15;
	v18 =	vld [tilespmem:s30+$0x4E50]  }
0x96: {  	v4 =	vsel vm0, v4, v8;
	v12 =	vsel vm2, v12, v13;
	v19 =	vld [tilespmem:s29+$0x34B0];
	v10 =	vsel vm3, v10, v15  }
0x97: {  	v6 =	vsel vm1, v6, v14;
	vm0 =	vlt.s32 v4, v17;
	vm1 =	vlt.s32 v10, v5  }
0x98: {  	v8 =	vsel vm0, v17, v4;
	vm2 =	vlt.s32 v16, v9;
	v5 =	vsel vm1, v10, v5;
	v10 =	vld [tilespmem:s30+$0x27E0]  }
0x99: {  	vm1 =	vlt.s32 v6, v7;
	v13 =	vsel vm2, v16, v9;
	vm3 =	vlt.s32 v5, v8;
	v14 =	vld [tilespmem:s30+$0x50E0]  }
0x9a: {  	v4 =	vsel vm0, v4, v17;
	v6 =	vsel vm1, v6, v7;
	v7 =	vld [tilespmem:s29+$0x3740];
	v5 =	vsel vm3, v5, v8  }
0x9b: {  	vm1 =	vlt.s32 v4, v11;
	vm0 =	vlt.s32 v6, v19;
	vm3 =	vlt.s32 v5, v18;
	v8 =	vld [tilespmem:s30+$0x2A70]  }
0x9c: {  	v17 =	vsel vm1, v11, v4;
	v6 =	vsel vm0, v6, v19;
	v15 =	vld [tilespmem:s29+$0x10D0];
	v5 =	vsel vm3, v5, v18  }
0x9d: {  	v9 =	vsel vm2, v9, v16;
	vm0 =	vlt.s32 v6, v12;
	vm2 =	vlt.s32 v5, v17;
	v16 =	vld [tilespmem:s30+$0x5370]  }
0x9e: {  	v4 =	vsel vm1, v4, v11;
	v6 =	vsel vm0, v6, v12;
	v12 =	vld [tilespmem:s29+$0x39D0];
	v5 =	vsel vm2, v5, v17  }
0x9f: {  	vm1 =	vlt.s32 v4, v10;
	vm0 =	vlt.s32 v6, v7;
	vm2 =	vlt.s32 v5, v14  }
0xa0: {  	v6 =	vsel vm0, v6, v7;
	v7 =	vsel vm1, v10, v4;
	v5 =	vsel vm2, v5, v14  }
0xa1: {  	vm0 =	vlt.s32 v6, v9;
	vm2 =	vlt.s32 v13, v15;
	vm3 =	vlt.s32 v5, v7  }
0xa2: {  	v4 =	vsel vm1, v4, v10;
	v6 =	vsel vm0, v6, v9;
	v9 =	vld [tilespmem:s29+$0x1360];
	v5 =	vsel vm3, v5, v7  }
0xa3: {  	vm1 =	vlt.s32 v4, v8;
	vm0 =	vlt.s32 v6, v12;
	v7 =	vld [tilespmem:s29+$0x3C60];
	vm3 =	vlt.s32 v5, v16  }
0xa4: {  	v10 =	vsel vm1, v8, v4;
	v4 =	vsel vm1, v4, v8;
	v5 =	vsel vm3, v5, v16  }
0xa5: {  	v8 =	vsel vm2, v15, v13;
	v6 =	vsel vm0, v6, v12;
	vm0 =	vlt.s32 v5, v10;
	[tilespmem:s30+$0x5600] =	vst v4  }
0xa6: {  	vm1 =	vlt.s32 v6, v8;
	v11 =	vld [tilespmem:s29+$0x15F0];
	v4 =	vsel vm0, v5, v10  }
0xa7: {  	v5 =	vsel vm1, v6, v8;
	v6 =	vsel vm2, v13, v15;
	v8 =	vld [tilespmem:s29+$0x3EF0];
	vm0 =	vlt.s32 v4, $0x40000000  }
0xa8: {  	s28 =	sadd.s32 $0x10, s28;
	vm1 =	vlt.s32 v6, v9;
	vm2 =	vlt.s32 v5, v7;
	v10 =	vnsel vm0, $0x40000000, v4  }
0xa9: {  	s1 =	sand.u32 $0x3F0, s28;
	v12 =	vsel vm1, v9, v6;
	v5 =	vsel vm2, v5, v7;
	v4 =	vld [tilespmem:s29+$0x1B10];
	[tilespmem:s30+$0x5900] =	vst v10;
	s30 =	smov.u32 s29  }
0xaa: {  	vm0 =	vlt.s32 v5, v12;
	v7 =	vld [tilespmem:s1+$0x1880]  }
0xab: {  	v9 =	vsel vm1, v6, v9;
	v5 =	vsel vm0, v5, v12;
	v10 =	vld [tilespmem:s1+$0x4180]  }
0xac: {  	s29 =	sshra.s32 s31, $0x2;
	vm0 =	vlt.s32 v9, v11;
	vm1 =	vlt.s32 v5, v8;
	v14 =	vld [tilespmem:s30+$0x4410]  }
0xad: {  	v12 =	vsel vm0, v11, v9;
	v6 =	vld [tilespmem:s29+$0x2D00];
	v5 =	vsel vm1, v5, v8  }
0xae: {  	v8 =	vld [tilespmem:s29+$0x2F90];
	vm1 =	vlt.s32 v5, v12  }
0xaf: {  	v11 =	vsel vm0, v9, v11;
	v13 =	vld [tilespmem:s29+$0x400];
	v5 =	vsel vm1, v5, v12  }
0xb0: {  	vm1 =	vlt.s32 v11, v7;
	vm0 =	vlt.s32 v5, v10  }
.Ltmp2:
0xb1: {  	v12 =	vsel vm1, v7, v11;
	v9 =	vld [tilespmem:s29+$0x690];
	v10 =	vsel vm0, v5, v10;
	(pc) =	sbr.rel @p2 .LBB2_6-.Ltmp2, $4  }
0xb2: {  	vm2 =	vlt.s32 v10, v12;
	v5 =	vld [tilespmem:s30+$0x1DA0]  }
0xb3: {  	v11 =	vsel vm1, v11, v7;
	vm0 =	vlt.s32 v6, v8;
	v15 =	vsel vm2, v10, v12;
	v10 =	vld [tilespmem:s30+$0x46A0]  }
0xb4: {  	vm1 =	vlt.s32 v11, v4;
	vm2 =	vlt.s32 v13, $0x40000000;
	v7 =	vld [tilespmem:s29+$0x920];
	vm3 =	vlt.s32 v15, v14  }
0xb5: {  	s31 =	sadd.s32 $0x40, s31;
	v12 =	vnsel vm2, $0x40000000, v13;
	v13 =	vsel vm1, v4, v11;
	v14 =	vsel vm3, v15, v14  }
0xb6: {  	vm2 =	vlt.s32 v12, v9;
	v6 =	vsel vm0, v6, v8;
	vm12 =	vlt.s32 v14, v13;
	v35 =	vld [tilespmem:s30+$0x2030]  }
0xb7: {  	v4 =	vsel vm1, v11, v4;
	v36 =	vld [tilespmem:s30+$0x4930];
	v15 =	vsel vm2, v12, v9;
	v13 =	vsel vm12, v14, v13  }
0xb8: {  	v38 =	vld [tilespmem:s29+$0xBB0];
	v37 =	vsel vm2, v9, v12;
	vm13 =	vlt.s32 v4, v5;
	vm14 =	vlt.s32 v13, v10  }
0xb9: {  	v39 =	vld [tilespmem:s29+$0x3220];
	v16 =	vsel vm13, v5, v4;
	vm6 =	vlt.s32 v6, v37;
	v10 =	vsel vm14, v13, v10  }
0xba: {  	v17 =	vld [tilespmem:s30+$0x22C0];
	v4 =	vsel vm13, v4, v5;
	vm15 =	vlt.s32 v15, v7;
	vm3 =	vlt.s32 v10, v16  }
0xbb: {  	v5 =	vld [tilespmem:s30+$0x4BC0];
	v6 =	vsel vm6, v6, v37;
	v40 =	vsel vm15, v15, v7;
	v10 =	vsel vm3, v10, v16  }
0xbc: {  	v42 =	vld [tilespmem:s29+$0xE40];
	v41 =	vsel vm15, v7, v15;
	vm0 =	vlt.s32 v4, v35;
	vm7 =	vlt.s32 v10, v36  }
0xbd: {  	vm8 =	vlt.s32 v40, v38;
	v43 =	vsel vm0, v35, v4;
	v10 =	vsel vm7, v10, v36  }
0xbe: {  	v44 =	vld [tilespmem:s30+$0x2550];
	vm9 =	vlt.s32 v6, v39;
	v45 =	vsel vm8, v40, v38;
	vm10 =	vlt.s32 v10, v43  }
0xbf: {  	v18 =	vld [tilespmem:s30+$0x4E50];
	v12 =	vsel vm8, v38, v40;
	v4 =	vsel vm0, v4, v35;
	v10 =	vsel vm10, v10, v43  }
0xc0: {  	v19 =	vld [tilespmem:s29+$0x34B0];
	v6 =	vsel vm9, v6, v39;
	vm0 =	vlt.s32 v4, v17;
	vm11 =	vlt.s32 v10, v5  }
0xc1: {  	v51 =	vld [tilespmem:s29+$0x10D0];
	vm12 =	vlt.s32 v45, v42;
	v8 =	vsel vm0, v17, v4;
	v5 =	vsel vm11, v10, v5  }
0xc2: {  	v46 =	vld [tilespmem:s30+$0x27E0];
	vm13 =	vlt.s32 v6, v41;
	v47 =	vsel vm12, v45, v42;
	vm14 =	vlt.s32 v5, v8  }
0xc3: {  	v48 =	vld [tilespmem:s30+$0x50E0];
	v6 =	vsel vm13, v6, v41;
	v4 =	vsel vm0, v4, v17;
	v5 =	vsel vm14, v5, v8  }
0xc4: {  	v49 =	vld [tilespmem:s29+$0x3740];
	v9 =	vsel vm12, v42, v45;
	vm6 =	vlt.s32 v4, v44;
	vm3 =	vlt.s32 v5, v18  }
0xc5: {  	vm15 =	vlt.s32 v6, v19;
	v17 =	vsel vm6, v44, v4;
	v5 =	vsel vm3, v5, v18  }
0xc6: {  	v50 =	vld [tilespmem:s30+$0x2A70];
	vm8 =	vlt.s32 v47, v51;
	v6 =	vsel vm15, v6, v19;
	vm7 =	vlt.s32 v5, v17  }
0xc7: {  	v52 =	vld [tilespmem:s30+$0x5370];
	v4 =	vsel vm6, v4, v44;
	vm0 =	vlt.s32 v6, v12;
	v5 =	vsel vm7, v5, v17  }
0xc8: {  	v53 =	vld [tilespmem:s29+$0x39D0];
	vm1 =	vlt.s32 v4, v46;
	v6 =	vsel vm0, v6, v12;
	vm2 =	vlt.s32 v5, v48  }
0xc9: {  	v54 =	vsel vm1, v46, v4;
	vm0 =	vlt.s32 v6, v49;
	v5 =	vsel vm2, v5, v48  }
0xca: {  	v4 =	vsel vm1, v4, v46;
	v6 =	vsel vm0, v6, v49;
	vm9 =	vlt.s32 v5, v54  }
0xcb: {  	v55 =	vld [tilespmem:s29+$0x1360];
	vm1 =	vlt.s32 v4, v50;
	vm0 =	vlt.s32 v6, v9;
	v5 =	vsel vm9, v5, v54  }
0xcc: {  	v56 =	vld [tilespmem:s29+$0x3C60];
	v10 =	vsel vm1, v50, v4;
	v6 =	vsel vm0, v6, v9;
	vm3 =	vlt.s32 v5, v52  }
0xcd: {  	v4 =	vsel vm1, v4, v50;
	vm0 =	vlt.s32 v6, v53;
	v5 =	vsel vm3, v5, v52  }
0xce: {  	v57 =	vsel vm8, v51, v47;
	[tilespmem:s30+$0x5600] =	vst v4;
	v6 =	vsel vm0, v6, v53;
	vm10 =	vlt.s32 v5, v10  }
0xcf: {  	v4 =	vld [tilespmem:s29+$0x15F0];
	vm11 =	vlt.s32 v6, v57;
	v5 =	vsel vm10, v5, v10  }
0xd0: {  	v58 =	vsel vm8, v47, v51;
	v59 =	vld [tilespmem:s29+$0x3EF0];
	v6 =	vsel vm11, v6, v57;
	vm0 =	vlt.s32 v5, $0x40000000  }
0xd1: {  	s1 =	sadd.s32 $0x10, s28;
	vm12 =	vlt.s32 v58, v55;
	vm13 =	vlt.s32 v6, v56;
	v5 =	vnsel vm0, $0x40000000, v5  }
0xd2: {  	s1 =	sand.u32 $0x3F0, s1;
	v61 =	vsel vm12, v55, v58;
	v60 =	vld [tilespmem:s29+$0x1B10];
	v6 =	vsel vm13, v6, v56;
	[tilespmem:s30+$0x5900] =	vst v5  }
0xd3: {  	vm14 =	vlt.s32 v6, v61;
	v5 =	vld [tilespmem:s1+$0x1880]  }
0xd4: {  	v62 =	vsel vm12, v58, v55;
	v6 =	vsel vm14, v6, v61;
	v63 =	vld [tilespmem:s1+$0x4180]  }
0xd5: {  	vm15 =	vlt.s32 v62, v4;
	vm4 =	vlt.s32 v6, v59  }
0xd6: {  	v9 =	vsel vm15, v4, v62;
	v6 =	vsel vm4, v6, v59  }
0xd7: {  	vm1 =	vlt.s32 v6, v9  }
0xd8: {  	v4 =	vsel vm15, v62, v4;
	v6 =	vsel vm1, v6, v9;
	v12 =	vld [tilespmem:s29+$0x4410]  }
0xd9: {  	vm0 =	vlt.s32 v4, v5;
	vm1 =	vlt.s32 v6, v63  }
0xda: {  	v7 =	vsel vm0, v5, v4;
	v6 =	vsel vm1, v6, v63  }
0xdb: {  	v13 =	vld [tilespmem:s29+$0x1DA0];
	vm1 =	vlt.s32 v6, v7  }
0xdc: {  	v4 =	vsel vm0, v4, v5;
	v5 =	vld [tilespmem:s29+$0x46A0];
	v6 =	vsel vm1, v6, v7  }
0xdd: {  	vm0 =	vlt.s32 v4, v60;
	vm1 =	vlt.s32 v6, v12  }
0xde: {  	v14 =	vsel vm0, v60, v4;
	v6 =	vsel vm1, v6, v12  }
0xdf: {  	v15 =	vld [tilespmem:s29+$0x2030];
	vm1 =	vlt.s32 v6, v14  }
0xe0: {  	v16 =	vld [tilespmem:s29+$0x4930];
	v4 =	vsel vm0, v4, v60;
	v6 =	vsel vm1, v6, v14  }
0xe1: {  	vm0 =	vlt.s32 v4, v13;
	vm1 =	vlt.s32 v6, v5  }
0xe2: {  	v17 =	vsel vm0, v13, v4;
	v5 =	vsel vm1, v6, v5  }
0xe3: {  	v18 =	vld [tilespmem:s29+$0x22C0];
	vm1 =	vlt.s32 v5, v17  }
0xe4: {  	v19 =	vld [tilespmem:s29+$0x4BC0];
	v4 =	vsel vm0, v4, v13;
	v5 =	vsel vm1, v5, v17  }
0xe5: {  	vm0 =	vlt.s32 v4, v15;
	vm1 =	vlt.s32 v5, v16  }
0xe6: {  	v20 =	vsel vm0, v15, v4;
	v5 =	vsel vm1, v5, v16  }
0xe7: {  	v21 =	vld [tilespmem:s29+$0x2550];
	vm1 =	vlt.s32 v5, v20  }
0xe8: {  	v22 =	vld [tilespmem:s29+$0x4E50];
	v4 =	vsel vm0, v4, v15;
	v5 =	vsel vm1, v5, v20  }
0xe9: {  	vm0 =	vlt.s32 v4, v18;
	vm1 =	vlt.s32 v5, v19  }
0xea: {  	v9 =	vsel vm0, v18, v4;
	v5 =	vsel vm1, v5, v19  }
0xeb: {  	v23 =	vld [tilespmem:s29+$0x27E0];
	vm1 =	vlt.s32 v5, v9  }
0xec: {  	v24 =	vld [tilespmem:s29+$0x50E0];
	v4 =	vsel vm0, v4, v18;
	v5 =	vsel vm1, v5, v9  }
0xed: {  	vm0 =	vlt.s32 v4, v21;
	vm1 =	vlt.s32 v5, v22  }
0xee: {  	v6 =	vsel vm0, v21, v4;
	v5 =	vsel vm1, v5, v22  }
0xef: {  	v25 =	vld [tilespmem:s29+$0x2A70];
	vm1 =	vlt.s32 v5, v6  }
0xf0: {  	v26 =	vld [tilespmem:s29+$0x5370];
	v4 =	vsel vm0, v4, v21;
	v5 =	vsel vm1, v5, v6  }
0xf1: {  	vm0 =	vlt.s32 v4, v23;
	vm1 =	vlt.s32 v5, v24  }
0xf2: {  	v27 =	vsel vm0, v23, v4;
	v5 =	vsel vm1, v5, v24  }
0xf3: {  	vm1 =	vlt.s32 v5, v27  }
0xf4: {  	v4 =	vsel vm0, v4, v23;
	v5 =	vsel vm1, v5, v27  }
0xf5: {  	vm0 =	vlt.s32 v4, v25;
	vm1 =	vlt.s32 v5, v26  }
0xf6: {  	v28 =	vsel vm0, v25, v4;
	v5 =	vsel vm1, v5, v26  }
0xf7: {  	vm1 =	vlt.s32 v5, v28  }
0xf8: {  	v5 =	vsel vm1, v5, v28  }
0xf9: {  	v4 =	vsel vm0, v4, v25;
	vm5 =	vlt.s32 v5, $0x40000000  }
0xfa: {  	[tilespmem:s29+$0x5600] =	vst v4;
	v4 =	vnsel vm5, $0x40000000, v5  }
0xfb: {  	[tilespmem:s29+$0x5900] =	vst v4  }
0xfc: {  	[spmem:s6] =	stream.linear.scatter [tilespmem:s17], [sflag:$0x2], $0x290, $0x38;
	[tilespmem:$0xDC20] =	vst v63  }
0xfd: {  	_ =	swait.ge [sflag:s14], $0x290  }
0xfe: {  	[sflag:s14] =	ssyncset.done $0x0  }
0xff: {  	[sflag:s14] =	ssyncadd.s32 $0xFFFFFD70  }
0x100: {  	[spmem:s9] =	stream.linear.scatter [tilespmem:s18], [sflag:$0x2], $0x290, $0x38;
	[tilespmem:$0xDC20] =	vst v63  }
0x101: {  	_ =	swait.ge [sflag:s14], $0x290  }
0x102: {  	[sflag:s14] =	ssyncset.done $0x0  }
0x103: {  	[sflag:s14] =	ssyncadd.s32 $0xFFFFFD70  }
0x104: {  	[bflag:$0x0] =	sbarrier.arrive $0xFFFF  }
0x105: {  	[tilespmem:s19], [sflag:$0x2] =	stream.linear.gather [spmem:s3], $0x5200, $0x38;
	[tilespmem:$0xDC20] =	vst v63  }
0x106: {  	_ =	swait.ge [sflag:s14], $0x5200  }
0x107: {  	[sflag:s14] =	ssyncset.done $0x0  }
0x108: {  	[sflag:s14] =	ssyncadd.s32 $0xFFFFAE00  }
0x109: {  	v4 =	vld [tilespmem:s5+$0x5C00]  }
0x10a: {  	v5 =	vld [tilespmem:s5+$0x8500]  }
0x10b: {  	v29 =	vld [tilespmem:s5+$0x5E90]  }
0x10c: {  	v30 =	vld [tilespmem:s5+$0x8790];
	_ =	sdelay $0x2  }
0x10d: {  	v31 =	vld [tilespmem:s5+$0x6120];
	vm6 =	vlt.s32 v4, $0x40000000  }
0x10e: {  	v32 =	vld [tilespmem:s5+$0x8A20];
	v4 =	vnsel vm6, $0x40000000, v4  }
0x10f: {  	vm7 =	vlt.s32 v5, v30;
	vm0 =	vlt.s32 v4, v29  }
0x110: {  	v5 =	vsel vm7, v5, v30;
	v33 =	vsel vm0, v29, v4  }
0x111: {  	v34 =	vld [tilespmem:s5+$0x63B0];
	vm1 =	vlt.s32 v5, v33  }
0x112: {  	v35 =	vld [tilespmem:s5+$0x8CB0];
	v4 =	vsel vm0, v4, v29;
	v5 =	vsel vm1, v5, v33  }
0x113: {  	vm0 =	vlt.s32 v4, v31;
	vm1 =	vlt.s32 v5, v32  }
0x114: {  	v36 =	vsel vm0, v31, v4;
	v5 =	vsel vm1, v5, v32  }
0x115: {  	v37 =	vld [tilespmem:s5+$0x6640];
	vm1 =	vlt.s32 v5, v36  }
0x116: {  	v38 =	vld [tilespmem:s5+$0x8F40];
	v4 =	vsel vm0, v4, v31;
	v5 =	vsel vm1, v5, v36  }
0x117: {  	vm0 =	vlt.s32 v4, v34;
	vm1 =	vlt.s32 v5, v35  }
0x118: {  	v39 =	vsel vm0, v34, v4;
	v5 =	vsel vm1, v5, v35  }
0x119: {  	v40 =	vld [tilespmem:s5+$0x68D0];
	vm1 =	vlt.s32 v5, v39  }
0x11a: {  	v41 =	vld [tilespmem:s5+$0x91D0];
	v4 =	vsel vm0, v4, v34;
	v5 =	vsel vm1, v5, v39  }
0x11b: {  	vm0 =	vlt.s32 v4, v37;
	vm1 =	vlt.s32 v5, v38  }
0x11c: {  	v42 =	vsel vm0, v37, v4;
	v5 =	vsel vm1, v5, v38  }
0x11d: {  	v43 =	vld [tilespmem:s5+$0x6B60];
	vm1 =	vlt.s32 v5, v42  }
0x11e: {  	v44 =	vld [tilespmem:s5+$0x9460];
	v4 =	vsel vm0, v4, v37;
	v5 =	vsel vm1, v5, v42  }
0x11f: {  	vm0 =	vlt.s32 v4, v40;
	vm1 =	vlt.s32 v5, v41  }
0x120: {  	v45 =	vsel vm0, v40, v4;
	v5 =	vsel vm1, v5, v41  }
0x121: {  	v46 =	vld [tilespmem:s5+$0x6DF0];
	vm1 =	vlt.s32 v5, v45  }
0x122: {  	v47 =	vld [tilespmem:s5+$0x96F0];
	v4 =	vsel vm0, v4, v40;
	v5 =	vsel vm1, v5, v45  }
0x123: {  	vm0 =	vlt.s32 v4, v43;
	vm1 =	vlt.s32 v5, v44  }
0x124: {  	v48 =	vsel vm0, v43, v4;
	v5 =	vsel vm1, v5, v44  }
0x125: {  	v49 =	vld [tilespmem:s5+$0x7080];
	vm1 =	vlt.s32 v5, v48  }
0x126: {  	v50 =	vld [tilespmem:s5+$0x9980];
	v4 =	vsel vm0, v4, v43;
	v5 =	vsel vm1, v5, v48  }
0x127: {  	vm0 =	vlt.s32 v4, v46;
	vm1 =	vlt.s32 v5, v47  }
0x128: {  	v51 =	vsel vm0, v46, v4;
	v5 =	vsel vm1, v5, v47  }
0x129: {  	v52 =	vld [tilespmem:s5+$0x7310];
	vm1 =	vlt.s32 v5, v51  }
0x12a: {  	v53 =	vld [tilespmem:s5+$0x9C10];
	v4 =	vsel vm0, v4, v46;
	v5 =	vsel vm1, v5, v51  }
0x12b: {  	vm0 =	vlt.s32 v4, v49;
	vm1 =	vlt.s32 v5, v50  }
0x12c: {  	v54 =	vsel vm0, v49, v4;
	v5 =	vsel vm1, v5, v50  }
0x12d: {  	v55 =	vld [tilespmem:s5+$0x75A0];
	vm1 =	vlt.s32 v5, v54  }
0x12e: {  	v56 =	vld [tilespmem:s5+$0x9EA0];
	v4 =	vsel vm0, v4, v49;
	v5 =	vsel vm1, v5, v54  }
0x12f: {  	vm0 =	vlt.s32 v4, v52;
	vm1 =	vlt.s32 v5, v53  }
0x130: {  	v57 =	vsel vm0, v52, v4;
	v5 =	vsel vm1, v5, v53  }
0x131: {  	v58 =	vld [tilespmem:s5+$0x7830];
	vm1 =	vlt.s32 v5, v57  }
0x132: {  	v59 =	vld [tilespmem:s5+$0xA130];
	v4 =	vsel vm0, v4, v52;
	v5 =	vsel vm1, v5, v57  }
0x133: {  	vm0 =	vlt.s32 v4, v55;
	vm1 =	vlt.s32 v5, v56  }
0x134: {  	v60 =	vsel vm0, v55, v4;
	v5 =	vsel vm1, v5, v56  }
0x135: {  	v61 =	vld [tilespmem:s5+$0x7AC0];
	vm1 =	vlt.s32 v5, v60  }
0x136: {  	v62 =	vld [tilespmem:s5+$0xA3C0];
	v4 =	vsel vm0, v4, v55;
	v5 =	vsel vm1, v5, v60  }
0x137: {  	vm0 =	vlt.s32 v4, v58;
	vm1 =	vlt.s32 v5, v59  }
0x138: {  	v63 =	vsel vm0, v58, v4;
	v5 =	vsel vm1, v5, v59  }
0x139: {  	v12 =	vld [tilespmem:s5+$0x7D50];
	vm1 =	vlt.s32 v5, v63  }
0x13a: {  	v13 =	vld [tilespmem:s5+$0xA650];
	v4 =	vsel vm0, v4, v58;
	v5 =	vsel vm1, v5, v63  }
0x13b: {  	vm0 =	vlt.s32 v4, v61;
	vm1 =	vlt.s32 v5, v62  }
0x13c: {  	v14 =	vsel vm0, v61, v4;
	v5 =	vsel vm1, v5, v62  }
0x13d: {  	v15 =	vld [tilespmem:s5+$0x7FE0];
	vm1 =	vlt.s32 v5, v14  }
0x13e: {  	v16 =	vld [tilespmem:s5+$0xA8E0];
	v4 =	vsel vm0, v4, v61;
	v5 =	vsel vm1, v5, v14  }
0x13f: {  	vm0 =	vlt.s32 v4, v12;
	vm1 =	vlt.s32 v5, v13  }
0x140: {  	v17 =	vsel vm0, v12, v4;
	v5 =	vsel vm1, v5, v13  }
0x141: {  	v18 =	vld [tilespmem:s5+$0x8270];
	vm1 =	vlt.s32 v5, v17  }
0x142: {  	v19 =	vld [tilespmem:s5+$0xAB70];
	v4 =	vsel vm0, v4, v12;
	v5 =	vsel vm1, v5, v17  }
0x143: {  	vm0 =	vlt.s32 v4, v15;
	vm1 =	vlt.s32 v5, v16  }
0x144: {  	v20 =	vsel vm0, v15, v4;
	v5 =	vsel vm1, v5, v16  }
0x145: {  	vm1 =	vlt.s32 v5, v20  }
0x146: {  	v4 =	vsel vm0, v4, v15;
	v5 =	vsel vm1, v5, v20  }
0x147: {  	vm0 =	vlt.s32 v4, v18;
	vm1 =	vlt.s32 v5, v19  }
0x148: {  	v8 =	vsel vm0, v18, v4;
	v5 =	vsel vm1, v5, v19  }
0x149: {  	vm1 =	vlt.s32 v5, v8  }
0x14a: {  	v5 =	vsel vm1, v5, v8  }
0x14b: {  	vm1 =	vlt.s32 v5, $0x40000000  }
0x14c: {  	v4 =	vsel vm0, v4, v18;
	v5 =	vnsel vm1, $0x40000000, v5  }
0x14d: {  	v4 =	vpsel p0, v4, v5  }
0x14e: {  	vm8 =	vlt.s32 v4, $0x3FFF  }
0x14f: {  	v4 =	vnsel vm8, $0x3FFF, v4  }
0x150: {  	[tilespmem:$0xAE00] =	vst v4;
	v4 =	vsel vm1, $0x1, v3  }
0x151: {  	[tilespmem:$0xAE80] =	vst v4  }
0x152: {  	v4 =	vld [tilespmem:s5+$0x5C10]  }
0x153: {  	v5 =	vld [tilespmem:s5+$0x8510]  }
0x154: {  	v21 =	vld [tilespmem:s5+$0x5EA0]  }
0x155: {  	v22 =	vld [tilespmem:s5+$0x87A0];
	_ =	sdelay $0x2  }
0x156: {  	v23 =	vld [tilespmem:s5+$0x6130];
	vm9 =	vlt.s32 v4, $0x40000000  }
0x157: {  	v24 =	vld [tilespmem:s5+$0x8A30];
	v4 =	vnsel vm9, $0x40000000, v4  }
0x158: {  	vm10 =	vlt.s32 v5, v22;
	vm0 =	vlt.s32 v4, v21  }
0x159: {  	v5 =	vsel vm10, v5, v22;
	v25 =	vsel vm0, v21, v4  }
0x15a: {  	v26 =	vld [tilespmem:s5+$0x63C0];
	vm1 =	vlt.s32 v5, v25  }
0x15b: {  	v27 =	vld [tilespmem:s5+$0x8CC0];
	v4 =	vsel vm0, v4, v21;
	v5 =	vsel vm1, v5, v25  }
0x15c: {  	vm0 =	vlt.s32 v4, v23;
	vm1 =	vlt.s32 v5, v24  }
0x15d: {  	v28 =	vsel vm0, v23, v4;
	v5 =	vsel vm1, v5, v24  }
0x15e: {  	v29 =	vld [tilespmem:s5+$0x6650];
	vm1 =	vlt.s32 v5, v28  }
0x15f: {  	v30 =	vld [tilespmem:s5+$0x8F50];
	v4 =	vsel vm0, v4, v23;
	v5 =	vsel vm1, v5, v28  }
0x160: {  	vm0 =	vlt.s32 v4, v26;
	vm1 =	vlt.s32 v5, v27  }
0x161: {  	v31 =	vsel vm0, v26, v4;
	v5 =	vsel vm1, v5, v27  }
0x162: {  	v32 =	vld [tilespmem:s5+$0x68E0];
	vm1 =	vlt.s32 v5, v31  }
0x163: {  	v33 =	vld [tilespmem:s5+$0x91E0];
	v4 =	vsel vm0, v4, v26;
	v5 =	vsel vm1, v5, v31  }
0x164: {  	vm0 =	vlt.s32 v4, v29;
	vm1 =	vlt.s32 v5, v30  }
0x165: {  	v34 =	vsel vm0, v29, v4;
	v5 =	vsel vm1, v5, v30  }
0x166: {  	v35 =	vld [tilespmem:s5+$0x6B70];
	vm1 =	vlt.s32 v5, v34  }
0x167: {  	v36 =	vld [tilespmem:s5+$0x9470];
	v4 =	vsel vm0, v4, v29;
	v5 =	vsel vm1, v5, v34  }
0x168: {  	vm0 =	vlt.s32 v4, v32;
	vm1 =	vlt.s32 v5, v33  }
0x169: {  	v37 =	vsel vm0, v32, v4;
	v5 =	vsel vm1, v5, v33  }
0x16a: {  	v38 =	vld [tilespmem:s5+$0x6E00];
	vm1 =	vlt.s32 v5, v37  }
0x16b: {  	v39 =	vld [tilespmem:s5+$0x9700];
	v4 =	vsel vm0, v4, v32;
	v5 =	vsel vm1, v5, v37  }
0x16c: {  	vm0 =	vlt.s32 v4, v35;
	vm1 =	vlt.s32 v5, v36  }
0x16d: {  	v40 =	vsel vm0, v35, v4;
	v5 =	vsel vm1, v5, v36  }
0x16e: {  	v41 =	vld [tilespmem:s5+$0x7090];
	vm1 =	vlt.s32 v5, v40  }
0x16f: {  	v42 =	vld [tilespmem:s5+$0x9990];
	v4 =	vsel vm0, v4, v35;
	v5 =	vsel vm1, v5, v40  }
0x170: {  	vm0 =	vlt.s32 v4, v38;
	vm1 =	vlt.s32 v5, v39  }
0x171: {  	v43 =	vsel vm0, v38, v4;
	v5 =	vsel vm1, v5, v39  }
0x172: {  	v44 =	vld [tilespmem:s5+$0x7320];
	vm1 =	vlt.s32 v5, v43  }
0x173: {  	v45 =	vld [tilespmem:s5+$0x9C20];
	v4 =	vsel vm0, v4, v38;
	v5 =	vsel vm1, v5, v43  }
0x174: {  	vm0 =	vlt.s32 v4, v41;
	vm1 =	vlt.s32 v5, v42  }
0x175: {  	v46 =	vsel vm0, v41, v4;
	v5 =	vsel vm1, v5, v42  }
0x176: {  	v47 =	vld [tilespmem:s5+$0x75B0];
	vm1 =	vlt.s32 v5, v46  }
0x177: {  	v48 =	vld [tilespmem:s5+$0x9EB0];
	v4 =	vsel vm0, v4, v41;
	v5 =	vsel vm1, v5, v46  }
0x178: {  	vm0 =	vlt.s32 v4, v44;
	vm1 =	vlt.s32 v5, v45  }
0x179: {  	v49 =	vsel vm0, v44, v4;
	v5 =	vsel vm1, v5, v45  }
0x17a: {  	v50 =	vld [tilespmem:s5+$0x7840];
	vm1 =	vlt.s32 v5, v49  }
0x17b: {  	v51 =	vld [tilespmem:s5+$0xA140];
	v4 =	vsel vm0, v4, v44;
	v5 =	vsel vm1, v5, v49  }
0x17c: {  	vm0 =	vlt.s32 v4, v47;
	vm1 =	vlt.s32 v5, v48  }
0x17d: {  	v52 =	vsel vm0, v47, v4;
	v5 =	vsel vm1, v5, v48  }
0x17e: {  	v53 =	vld [tilespmem:s5+$0x7AD0];
	vm1 =	vlt.s32 v5, v52  }
0x17f: {  	v54 =	vld [tilespmem:s5+$0xA3D0];
	v4 =	vsel vm0, v4, v47;
	v5 =	vsel vm1, v5, v52  }
0x180: {  	vm0 =	vlt.s32 v4, v50;
	vm1 =	vlt.s32 v5, v51  }
0x181: {  	v55 =	vsel vm0, v50, v4;
	v5 =	vsel vm1, v5, v51  }
0x182: {  	v56 =	vld [tilespmem:s5+$0x7D60];
	vm1 =	vlt.s32 v5, v55  }
0x183: {  	v57 =	vld [tilespmem:s5+$0xA660];
	v4 =	vsel vm0, v4, v50;
	v5 =	vsel vm1, v5, v55  }
0x184: {  	vm0 =	vlt.s32 v4, v53;
	vm1 =	vlt.s32 v5, v54  }
0x185: {  	v58 =	vsel vm0, v53, v4;
	v5 =	vsel vm1, v5, v54  }
0x186: {  	v59 =	vld [tilespmem:s5+$0x7FF0];
	vm1 =	vlt.s32 v5, v58  }
0x187: {  	v60 =	vld [tilespmem:s5+$0xA8F0];
	v4 =	vsel vm0, v4, v53;
	v5 =	vsel vm1, v5, v58  }
0x188: {  	vm0 =	vlt.s32 v4, v56;
	vm1 =	vlt.s32 v5, v57  }
0x189: {  	v61 =	vsel vm0, v56, v4;
	v5 =	vsel vm1, v5, v57  }
0x18a: {  	v62 =	vld [tilespmem:s5+$0x8280];
	vm1 =	vlt.s32 v5, v61  }
0x18b: {  	v63 =	vld [tilespmem:s5+$0xAB80];
	v4 =	vsel vm0, v4, v56;
	v5 =	vsel vm1, v5, v61  }
0x18c: {  	vm0 =	vlt.s32 v4, v59;
	vm1 =	vlt.s32 v5, v60  }
0x18d: {  	v12 =	vsel vm0, v59, v4;
	v5 =	vsel vm1, v5, v60  }
0x18e: {  	vm1 =	vlt.s32 v5, v12  }
0x18f: {  	v4 =	vsel vm0, v4, v59;
	v5 =	vsel vm1, v5, v12  }
0x190: {  	vm0 =	vlt.s32 v4, v62;
	vm1 =	vlt.s32 v5, v63  }
0x191: {  	v8 =	vsel vm0, v62, v4;
	v5 =	vsel vm1, v5, v63  }
0x192: {  	vm1 =	vlt.s32 v5, v8  }
0x193: {  	v5 =	vsel vm1, v5, v8  }
0x194: {  	vm1 =	vlt.s32 v5, $0x40000000  }
0x195: {  	v4 =	vsel vm0, v4, v62;
	v5 =	vnsel vm1, $0x40000000, v5  }
0x196: {  	v4 =	vpsel p0, v4, v5  }
0x197: {  	vm11 =	vlt.s32 v4, $0x3FFF  }
0x198: {  	v4 =	vnsel vm11, $0x3FFF, v4  }
0x199: {  	[tilespmem:$0xAE10] =	vst v4;
	v4 =	vsel vm1, $0x1, v3  }
0x19a: {  	[tilespmem:$0xAE90] =	vst v4  }
0x19b: {  	v4 =	vld [tilespmem:s5+$0x5C20]  }
0x19c: {  	v5 =	vld [tilespmem:s5+$0x8520]  }
0x19d: {  	v13 =	vld [tilespmem:s5+$0x5EB0]  }
0x19e: {  	v14 =	vld [tilespmem:s5+$0x87B0];
	_ =	sdelay $0x2  }
0x19f: {  	v15 =	vld [tilespmem:s5+$0x6140];
	vm12 =	vlt.s32 v4, $0x40000000  }
0x1a0: {  	v16 =	vld [tilespmem:s5+$0x8A40];
	v4 =	vnsel vm12, $0x40000000, v4  }
0x1a1: {  	vm13 =	vlt.s32 v5, v14;
	vm0 =	vlt.s32 v4, v13  }
0x1a2: {  	v5 =	vsel vm13, v5, v14;
	v17 =	vsel vm0, v13, v4  }
0x1a3: {  	v18 =	vld [tilespmem:s5+$0x63D0];
	vm1 =	vlt.s32 v5, v17  }
0x1a4: {  	v19 =	vld [tilespmem:s5+$0x8CD0];
	v4 =	vsel vm0, v4, v13;
	v5 =	vsel vm1, v5, v17  }
0x1a5: {  	vm0 =	vlt.s32 v4, v15;
	vm1 =	vlt.s32 v5, v16  }
0x1a6: {  	v20 =	vsel vm0, v15, v4;
	v5 =	vsel vm1, v5, v16  }
0x1a7: {  	v21 =	vld [tilespmem:s5+$0x6660];
	vm1 =	vlt.s32 v5, v20  }
0x1a8: {  	v22 =	vld [tilespmem:s5+$0x8F60];
	v4 =	vsel vm0, v4, v15;
	v5 =	vsel vm1, v5, v20  }
0x1a9: {  	vm0 =	vlt.s32 v4, v18;
	vm1 =	vlt.s32 v5, v19  }
0x1aa: {  	v23 =	vsel vm0, v18, v4;
	v5 =	vsel vm1, v5, v19  }
0x1ab: {  	v24 =	vld [tilespmem:s5+$0x68F0];
	vm1 =	vlt.s32 v5, v23  }
0x1ac: {  	v25 =	vld [tilespmem:s5+$0x91F0];
	v4 =	vsel vm0, v4, v18;
	v5 =	vsel vm1, v5, v23  }
0x1ad: {  	vm0 =	vlt.s32 v4, v21;
	vm1 =	vlt.s32 v5, v22  }
0x1ae: {  	v26 =	vsel vm0, v21, v4;
	v5 =	vsel vm1, v5, v22  }
0x1af: {  	v27 =	vld [tilespmem:s5+$0x6B80];
	vm1 =	vlt.s32 v5, v26  }
0x1b0: {  	v28 =	vld [tilespmem:s5+$0x9480];
	v4 =	vsel vm0, v4, v21;
	v5 =	vsel vm1, v5, v26  }
0x1b1: {  	vm0 =	vlt.s32 v4, v24;
	vm1 =	vlt.s32 v5, v25  }
0x1b2: {  	v29 =	vsel vm0, v24, v4;
	v5 =	vsel vm1, v5, v25  }
0x1b3: {  	v30 =	vld [tilespmem:s5+$0x6E10];
	vm1 =	vlt.s32 v5, v29  }
0x1b4: {  	v31 =	vld [tilespmem:s5+$0x9710];
	v4 =	vsel vm0, v4, v24;
	v5 =	vsel vm1, v5, v29  }
0x1b5: {  	vm0 =	vlt.s32 v4, v27;
	vm1 =	vlt.s32 v5, v28  }
0x1b6: {  	v32 =	vsel vm0, v27, v4;
	v5 =	vsel vm1, v5, v28  }
0x1b7: {  	v33 =	vld [tilespmem:s5+$0x70A0];
	vm1 =	vlt.s32 v5, v32  }
0x1b8: {  	v34 =	vld [tilespmem:s5+$0x99A0];
	v4 =	vsel vm0, v4, v27;
	v5 =	vsel vm1, v5, v32  }
0x1b9: {  	vm0 =	vlt.s32 v4, v30;
	vm1 =	vlt.s32 v5, v31  }
0x1ba: {  	v35 =	vsel vm0, v30, v4;
	v5 =	vsel vm1, v5, v31  }
0x1bb: {  	v36 =	vld [tilespmem:s5+$0x7330];
	vm1 =	vlt.s32 v5, v35  }
0x1bc: {  	v37 =	vld [tilespmem:s5+$0x9C30];
	v4 =	vsel vm0, v4, v30;
	v5 =	vsel vm1, v5, v35  }
0x1bd: {  	vm0 =	vlt.s32 v4, v33;
	vm1 =	vlt.s32 v5, v34  }
0x1be: {  	v38 =	vsel vm0, v33, v4;
	v5 =	vsel vm1, v5, v34  }
0x1bf: {  	v39 =	vld [tilespmem:s5+$0x75C0];
	vm1 =	vlt.s32 v5, v38  }
0x1c0: {  	v40 =	vld [tilespmem:s5+$0x9EC0];
	v4 =	vsel vm0, v4, v33;
	v5 =	vsel vm1, v5, v38  }
0x1c1: {  	vm0 =	vlt.s32 v4, v36;
	vm1 =	vlt.s32 v5, v37  }
0x1c2: {  	v41 =	vsel vm0, v36, v4;
	v5 =	vsel vm1, v5, v37  }
0x1c3: {  	v42 =	vld [tilespmem:s5+$0x7850];
	vm1 =	vlt.s32 v5, v41  }
0x1c4: {  	v43 =	vld [tilespmem:s5+$0xA150];
	v4 =	vsel vm0, v4, v36;
	v5 =	vsel vm1, v5, v41  }
0x1c5: {  	vm0 =	vlt.s32 v4, v39;
	vm1 =	vlt.s32 v5, v40  }
0x1c6: {  	v44 =	vsel vm0, v39, v4;
	v5 =	vsel vm1, v5, v40  }
0x1c7: {  	v45 =	vld [tilespmem:s5+$0x7AE0];
	vm1 =	vlt.s32 v5, v44  }
0x1c8: {  	v46 =	vld [tilespmem:s5+$0xA3E0];
	v4 =	vsel vm0, v4, v39;
	v5 =	vsel vm1, v5, v44  }
0x1c9: {  	vm0 =	vlt.s32 v4, v42;
	vm1 =	vlt.s32 v5, v43  }
0x1ca: {  	v47 =	vsel vm0, v42, v4;
	v5 =	vsel vm1, v5, v43  }
0x1cb: {  	v48 =	vld [tilespmem:s5+$0x7D70];
	vm1 =	vlt.s32 v5, v47  }
0x1cc: {  	v49 =	vld [tilespmem:s5+$0xA670];
	v4 =	vsel vm0, v4, v42;
	v5 =	vsel vm1, v5, v47  }
0x1cd: {  	vm0 =	vlt.s32 v4, v45;
	vm1 =	vlt.s32 v5, v46  }
0x1ce: {  	v50 =	vsel vm0, v45, v4;
	v5 =	vsel vm1, v5, v46  }
0x1cf: {  	v51 =	vld [tilespmem:s10+$0x0];
	vm1 =	vlt.s32 v5, v50  }
0x1d0: {  	v52 =	vld [tilespmem:s5+$0xA900];
	v4 =	vsel vm0, v4, v45;
	v5 =	vsel vm1, v5, v50  }
0x1d1: {  	vm0 =	vlt.s32 v4, v48;
	vm1 =	vlt.s32 v5, v49  }
0x1d2: {  	v53 =	vsel vm0, v48, v4;
	v5 =	vsel vm1, v5, v49  }
0x1d3: {  	v54 =	vld [tilespmem:s5+$0x8290];
	vm1 =	vlt.s32 v5, v53  }
0x1d4: {  	v55 =	vld [tilespmem:s5+$0xAB90];
	v4 =	vsel vm0, v4, v48;
	v5 =	vsel vm1, v5, v53  }
0x1d5: {  	v57 =	vld [tilespmem:$0xAE00];
	vm0 =	vlt.s32 v4, v51;
	vm1 =	vlt.s32 v5, v52  }
0x1d6: {  	v56 =	vsel vm0, v51, v4;
	v5 =	vsel vm1, v5, v52  }
0x1d7: {  	vm1 =	vlt.s32 v5, v56  }
0x1d8: {  	v4 =	vsel vm0, v4, v51;
	v5 =	vsel vm1, v5, v56  }
0x1d9: {  	v61 =	vshrl.u32 v0, $0x3;
	vm0 =	vlt.s32 v4, v54;
	vm1 =	vlt.s32 v5, v55  }
0x1da: {  	v58 =	vshll.u32 v57, $0x1;
	v8 =	vsel vm0, v54, v4;
	v5 =	vsel vm1, v5, v55  }
0x1db: {  	v59 =	vand.u32 $0x7, v57;
	v6 =	vand.u32 $0xFFFFFFF0, v58;
	vm1 =	vlt.s32 v5, v8  }
0x1dc: {  	v60 =	vand.u32 $0x7, v0;
	v6 =	vor.u32 v59, v6;
	v5 =	vsel vm1, v5, v8  }
0x1dd: {  	v9 =	vmul.u32 $0x8, v61;
	v62 =	vperm.xlane v6, v60;
	vm1 =	vlt.s32 v5, $0x40000000  }
0x1de: {  	v63 =	vor.u32 $0x8, v0;
	v4 =	vsel vm0, v4, v54;
	v5 =	vnsel vm1, $0x40000000, v5  }
0x1df: {  	v6 =	vperm.xlane v6, v63;
	v4 =	vpsel p0, v4, v5;
	v5 =	vadd.s32 v9, v62  }
0x1e0: {  	vm14 =	vlt.s32 v4, $0x3FFF  }
0x1e1: {  	v6 =	vadd.s32 v9, v6;
	v4 =	vnsel vm14, $0x3FFF, v4  }
0x1e2: {  	[tilespmem:$0xAE20] =	vst v4;
	v4 =	vsel vm1, $0x1, v3  }
0x1e3: {  	vm15 =	vmmov $0xffff;
	[tilespmem:$0xAEA0] =	vst v4  }
0x1e4: {  	[tilespmem:s20], [sflag:$0x1] =	stream.indirect_vreg.gather [hbm4b:s2+s4], $0x80, v5, vm15, $0xb8;
	[tilespmem:$0xDC20] =	vst v63  }
0x1e5: {  	_ = 	snop  }
0x1e6: {  	[tilespmem:s21], [sflag:$0x1] =	stream.indirect_vreg.gather [hbm4b:s2+s4], $0x80, v6, vm15, $0xb8;
	[tilespmem:$0xDC20] =	vst v63  }
0x1e7: {  	v4 =	vld [tilespmem:$0xAE10];
	_ =	sdelay $0x4  }
0x1e8: {  	v5 =	vshll.u32 v4, $0x1  }
0x1e9: {  	v4 =	vand.u32 $0x7, v4;
	v5 =	vand.u32 $0xFFFFFFF0, v5  }
0x1ea: {  	v4 =	vor.u32 v4, v5  }
0x1eb: {  	v5 =	vperm.xlane v4, v60;
	_ =	sdelay $0x1  }
0x1ec: {  	v4 =	vperm.xlane v4, v63;
	v5 =	vadd.s32 v9, v5;
	_ =	sdelay $0x1  }
0x1ed: {  	v4 =	vadd.s32 v9, v4;
	_ =	sdelay $0x2  }
0x1ee: {  	[tilespmem:s22], [sflag:$0x1] =	stream.indirect_vreg.gather [hbm4b:s2+s4], $0x80, v5, vm15, $0xb8;
	[tilespmem:$0xDC20] =	vst v63  }
0x1ef: {  	_ = 	snop  }
0x1f0: {  	[tilespmem:s23], [sflag:$0x1] =	stream.indirect_vreg.gather [hbm4b:s2+s4], $0x80, v4, vm15, $0xb8;
	[tilespmem:$0xDC20] =	vst v63  }
0x1f1: {  	v4 =	vld.msk [tilespmem:$0xAE20], $0xff;
	_ =	sdelay $0x4  }
0x1f2: {  	v5 =	vshll.u32 v4, $0x1  }
0x1f3: {  	v4 =	vand.u32 $0x7, v4;
	v5 =	vand.u32 $0xFFFFFFF0, v5  }
0x1f4: {  	v4 =	vor.u32 v4, v5  }
0x1f5: {  	v4 =	vperm.xlane v4, v60;
	_ =	sdelay $0x1  }
0x1f6: {  	v4 =	vadd.s32 v9, v4;
	_ =	sdelay $0x4  }
0x1f7: {  	[tilespmem:s24], [sflag:$0x1] =	stream.indirect_vreg.gather [hbm4b:s2+s4], $0x80, v4, vm15, $0xb8;
	[tilespmem:$0xDC20] =	vst v63  }
0x1f8: {  	_ =	swait.ge [sflag:s25], $0x2800  }
0x1f9: {  	[sflag:s25] =	ssyncset.done $0x0  }
0x1fa: {  	[sflag:s25] =	ssyncadd.s32 $0xFFFFD800  }
0x1fb: {  	[hbm4b:s11+s4] =	stream.linear.scatter [tilespmem:s20], [sflag:$0x2], $0x2800, $0x38;
	[tilespmem:$0xDC20] =	vst v63  }
0x1fc: {  	_ =	swait.ge [sflag:s14], $0x2800  }
0x1fd: {  	s28 =	simm.s32 @!p1 $0xAE80;
	s26 =	sadd.s32 $0x1, s26;
	[sflag:s14] =	ssyncset.done $0x0  }
0x1fe: {  	p2 =	sne.s32 s26, s13;
	s1 =	simm.s32 @!p1 $0x0;
	[sflag:s14] =	ssyncadd.s32 $0xFFFFD800  }
0x1ff: {  	[hbm4b:s12+s1] =	stream.linear.scatter @!p1 [tilespmem:s28], [sflag:$0x2], $0x28, $0x38;
	[tilespmem:$0xDC20] =	vst v63  }
.Ltmp3:
0x200: {  	_ = 	snop;
	(pc) =	sbr.rel @p2 .LBB2_1-.Ltmp3, $4  }
0x201: {  	s1 =	simm.s32 @!p1 $0x2  }
0x202: {  	_ =	swait.ge @!p1 [sflag:s1], $0x28  }
0x203: {  	[sflag:s1] =	ssyncset.done @!p1 $0x0  }
0x204: {  	[sflag:s1] =	ssyncadd.s32 @!p1 $0xFFFFFFD8  }
0x205: {  	_ =	sfence.sel $0x180000  }
0x206: {  	[bflag:$0x0] =	sbarrier.arrive $0xFFFF  }
0x207: {  	_ =	strace $0x90000047  }
0x208: {  	[bflag:$0x2] =	sbarrier.arrive $0xFFFF  }
0x209: {  	p0 =	sne.s32 s0, $0x0;
	s0 =	rddreg [dreg:$0x3]  }
0x20a: {  	s0 =	sadd.s32 @!p0 $0x100000, s0  }
0x20b: {  	[sflag:s0] =	ssyncadd.tile.s32 @!p0 $0x1;
	_ =	shalt  }
.Lfunc_end2:
_tile_overlayer_lowered:
.L_overlay_start_2:
0x20c: {  	(tag) =	ssettag $0x2  }
0x20d: {  	s0 =	rddreg [dreg:$0x0];
	s2 =	stileid.u32  }
0x20e: {  	s1 =	rddreg [dreg:$0x1];
	p0 =	sne.s32 s2, $0x0  }
0x20f: {  	s3 =	rddreg [dreg:$0x2];
	[bflag:$0x3] =	sbarrier.arrive $0xFFFF;
	s2 =	simm.s32 @!p0 $0x1C02  }
0x210: {  	[timem:s3], [sflag:s2] =	dma.local @!p0 [hbm:s0], s1  }
0x211: {  	s0 =	simm.s32 @!p0 $0x2  }
0x212: {  	_ =	swait.ge @!p0 [sflag:s0], s1  }
0x213: {  	s1 =	ssub.s32 @!p0 $0x0, s1;
	[sflag:s0] =	ssyncset.done @!p0 $0x0  }
0x214: {  	[sflag:s0] =	ssyncadd.s32 @!p0 s1  }
0x215: {  	[bflag:$0x3] =	sbarrier.arrive $0xFFFF  }
0x216: {  	_ =	shalt  }

</sc_bundles>
